<compile_context>
chip_gen: v7x
topology: tpu7x:2x2x1
jax: 0.10.2.dev20260603
libtpu: 0.0.44.dev20260713+nightly
codegen_flags: <defaults>
</compile_context>

<pallas_src>
import functools

import jax
import jax.numpy as jnp
from jax.experimental import pallas as pl

V, FIN, H = 512, 32, 64
TI = 32
TI2 = 16
TI3 = 16
NT, NT2, NT3 = V // TI, V // TI2, V // TI3
HIGH = jax.lax.Precision.HIGHEST


def _e1_tile(i, x_ref, s_ref, emb_ref, wa1_ref, wb1_ref, wc1_ref, ti):
    xf = x_ref[...]
    xt = x_ref[pl.ds(i * ti, ti), :]
    a1t = jnp.dot(xt, wa1_ref[...], precision=HIGH)
    bc0 = jnp.dot(xf, wb1_ref[...], precision=HIGH)
    c = jnp.dot(emb_ref[...], wc1_ref[...], precision=HIGH)
    c0 = c[0:1, :]
    cd = c[1:2, :] - c0
    bc0 = bc0 + c0
    sv = s_ref[...].astype(jnp.float32)
    e1 = (a1t[:, None, :] + bc0[None, :, :]
          + sv[:, :, None] * cd[None, :, :])
    return e1, a1t, bc0, sv


def _pass1(x_ref, s_ref, a_ref, emb_ref, wa1_ref, wb1_ref, wc1_ref, wv1_ref,
           num_ref, den_ref, raw1_ref):
    i = pl.program_id(0)
    e1, a1t, bc0, sv = _e1_tile(i, x_ref, s_ref, emb_ref, wa1_ref, wb1_ref,
                                wc1_ref, TI)
    v1 = jnp.dot(x_ref[...], wv1_ref[...], precision=HIGH)
    adj = jnp.minimum(a_ref[...] + s_ref[...], 1).astype(jnp.float32)
    g = jax.nn.sigmoid(e1)
    ga = g * adj[:, :, None]
    num_ref[...] = jnp.sum(ga * v1[None, :, :], axis=1)
    den_ref[...] = jnp.sum(ga, axis=1)
    rt = jnp.sum(sv, axis=1, keepdims=True)
    qt = jnp.sum(sv, axis=0, keepdims=True)
    ca = jnp.sum(a1t * rt, axis=0, keepdims=True)
    cb = jnp.dot(qt, bc0, precision=HIGH)
    n1 = jnp.broadcast_to(jnp.sum(rt, axis=0, keepdims=True), (1, H))
    upd = jnp.concatenate([ca, cb, n1, jnp.zeros((5, H), jnp.float32)], axis=0)

    @pl.when(i == 0)
    def _():
        raw1_ref[...] = upd

    @pl.when(i > 0)
    def _():
        raw1_ref[...] = raw1_ref[...] + upd


def _prepA(x_ref, emb_ref, wa1_ref, wb1_ref, wc1_ref, wu1_ref,
           num_ref, den_ref, raw1_ref,
           wa2_ref, wb2_ref, wv2_ref, wu2_ref,
           x1_ref, a2_ref, b2_ref, v2_ref, u2_ref, st1_ref):
    xf = x_ref[...]
    ux1 = jnp.dot(xf, wu1_ref[...], precision=HIGH)
    h = ux1 + num_ref[...] / (den_ref[...] + 1e-6)
    mu = jnp.mean(h, axis=0, keepdims=True)
    var = jnp.mean((h - mu) ** 2, axis=0, keepdims=True)
    x1 = jax.nn.relu((h - mu) / jnp.sqrt(var + 1e-5))
    x1_ref[...] = x1
    a2_ref[...] = jnp.dot(x1, wa2_ref[...], precision=HIGH)
    b2_ref[...] = jnp.dot(x1, wb2_ref[...], precision=HIGH)
    v2_ref[...] = jnp.dot(x1, wv2_ref[...], precision=HIGH)
    u2_ref[...] = jnp.dot(x1, wu2_ref[...], precision=HIGH)
    a1 = jnp.dot(xf, wa1_ref[...], precision=HIGH)
    c = jnp.dot(emb_ref[...], wc1_ref[...], precision=HIGH)
    c0 = c[0:1, :]
    cd = c[1:2, :] - c0
    bc0 = jnp.dot(xf, wb1_ref[...], precision=HIGH) + c0
    sa = jnp.sum(a1, axis=0, keepdims=True)
    sa2 = jnp.sum(a1 * a1, axis=0, keepdims=True)
    sb = jnp.sum(bc0, axis=0, keepdims=True)
    sb2 = jnp.sum(bc0 * bc0, axis=0, keepdims=True)
    ca = raw1_ref[0:1, :]
    cb = raw1_ref[1:2, :]
    n1 = raw1_ref[2:3, :]
    fV = jnp.float32(V)
    n = fV * fV
    se = fV * sa + fV * sb + n1 * cd
    se2 = (fV * sa2 + fV * sb2 + 2.0 * sa * sb
           + 2.0 * cd * (ca + cb) + cd * cd * n1)
    mu1 = se / n
    var1 = se2 / n - mu1 * mu1
    inv1 = jax.lax.rsqrt(var1 + 1e-5)
    st1_ref[...] = jnp.concatenate(
        [mu1, inv1, jnp.zeros((6, H), jnp.float32)], axis=0)


def _s1_tile(i, x_ref, s_ref, emb_ref, wa1_ref, wb1_ref, wc1_ref,
             st1_ref, ti):
    e1, _, _, _ = _e1_tile(i, x_ref, s_ref, emb_ref, wa1_ref, wb1_ref,
                           wc1_ref, ti)
    mu1 = st1_ref[0:1, :][None, :, :]
    inv1 = st1_ref[1:2, :][None, :, :]
    return jax.nn.relu((e1 - mu1) * inv1)


def _pass2(x_ref, s_ref, a_ref, emb_ref, wa1_ref, wb1_ref, wc1_ref,
           st1_ref, a2_ref, b2_ref, v2_ref, wc2_ref,
           num2_ref, den2_ref, raw2_ref, e2_ref):
    i = pl.program_id(0)
    s1 = _s1_tile(i, x_ref, s_ref, emb_ref, wa1_ref, wb1_ref, wc1_ref,
                  st1_ref, TI2)
    sc = jnp.dot(s1.reshape(TI2 * V, H), wc2_ref[...]).reshape(TI2, V, H)
    e2 = a2_ref[...][:, None, :] + b2_ref[...][None, :, :] + sc
    e2_ref[...] = e2
    adj = jnp.minimum(a_ref[...] + s_ref[...], 1).astype(jnp.float32)
    g = jax.nn.sigmoid(e2)
    ga = g * adj[:, :, None]
    num2_ref[...] = jnp.sum(ga * v2_ref[...][None, :, :], axis=1)
    den2_ref[...] = jnp.sum(ga, axis=1)
    es = jnp.sum(e2, axis=(0, 1))[None, :]
    eq = jnp.sum(e2 * e2, axis=(0, 1))[None, :]
    upd = jnp.concatenate([es, eq, jnp.zeros((6, H), jnp.float32)], axis=0)

    @pl.when(i == 0)
    def _():
        raw2_ref[...] = upd

    @pl.when(i > 0)
    def _():
        raw2_ref[...] = raw2_ref[...] + upd


def _prepB(u2_ref, num2_ref, den2_ref, raw2_ref, x1_ref,
           x2_ref, st2_ref):
    h = u2_ref[...] + num2_ref[...] / (den2_ref[...] + 1e-6)
    mu = jnp.mean(h, axis=0, keepdims=True)
    var = jnp.mean((h - mu) ** 2, axis=0, keepdims=True)
    x2_ref[...] = x1_ref[...] + jax.nn.relu((h - mu) / jnp.sqrt(var + 1e-5))
    n = jnp.float32(V) * jnp.float32(V)
    mu2 = raw2_ref[0:1, :] / n
    var2 = raw2_ref[1:2, :] / n - mu2 * mu2
    inv2 = jax.lax.rsqrt(var2 + 1e-5)
    st2_ref[...] = jnp.concatenate(
        [mu2, inv2, jnp.zeros((6, H), jnp.float32)], axis=0)


def _pass3(x_ref, s_ref, emb_ref, wa1_ref, wb1_ref, wc1_ref,
           st1_ref, e2_ref, st2_ref,
           s2_ref):
    i = pl.program_id(0)
    s1 = _s1_tile(i, x_ref, s_ref, emb_ref, wa1_ref, wb1_ref, wc1_ref,
                  st1_ref, TI3)
    e2 = e2_ref[...]
    mu2 = st2_ref[0:1, :][None, :, :]
    inv2 = st2_ref[1:2, :][None, :, :]
    s2_ref[...] = s1 + jax.nn.relu((e2 - mu2) * inv2)


def _full(shape):
    return pl.BlockSpec(shape, lambda i: tuple(0 for _ in shape))


def _rows(shape):
    return pl.BlockSpec(shape, lambda i: (i,) + tuple(0 for _ in shape[1:]))


@functools.partial(jax.jit, static_argnums=())
def kernel(x, A, S, emb, Wu1, Wv1, Wa1, Wb1, Wc1, Wu2, Wv2, Wa2, Wb2, Wc2):
    x2d = x[0]
    Si = S[0].astype(jnp.int32)
    Ai = A[0].astype(jnp.int32)

    f32 = jnp.float32
    vh = jax.ShapeDtypeStruct((V, H), f32)
    st = jax.ShapeDtypeStruct((8, H), f32)

    num1, den1, raw1 = pl.pallas_call(
        _pass1,
        grid=(NT,),
        in_specs=[_full((V, FIN)), _rows((TI, V)), _rows((TI, V)),
                  _full((2, FIN)), _full((FIN, H)), _full((FIN, H)),
                  _full((FIN, H)), _full((FIN, H))],
        out_specs=[_rows((TI, H)), _rows((TI, H)), _full((8, H))],
        out_shape=[vh, vh, st],
    )(x2d, Si, Ai, emb, Wa1, Wb1, Wc1, Wv1)

    x1, a2, b2, v2, u2, st1 = pl.pallas_call(
        _prepA,
        in_specs=[_full((V, FIN)), _full((2, FIN)), _full((FIN, H)),
                  _full((FIN, H)), _full((FIN, H)), _full((FIN, H)),
                  _full((V, H)), _full((V, H)), _full((8, H)),
                  _full((H, H)), _full((H, H)), _full((H, H)),
                  _full((H, H))],
        out_specs=[_full((V, H))] * 5 + [_full((8, H))],
        out_shape=[vh, vh, vh, vh, vh, st],
        grid=(1,),
    )(x2d, emb, Wa1, Wb1, Wc1, Wu1, num1, den1, raw1, Wa2, Wb2, Wv2, Wu2)

    num2, den2, raw2, e2 = pl.pallas_call(
        _pass2,
        grid=(NT2,),
        in_specs=[_full((V, FIN)), _rows((TI2, V)), _rows((TI2, V)),
                  _full((2, FIN)), _full((FIN, H)), _full((FIN, H)),
                  _full((FIN, H)), _full((8, H)), _rows((TI2, H)),
                  _full((V, H)), _full((V, H)), _full((H, H))],
        out_specs=[_rows((TI2, H)), _rows((TI2, H)), _full((8, H)),
                   _rows((TI2, V, H))],
        out_shape=[vh, vh, st, jax.ShapeDtypeStruct((V, V, H), f32)],
    )(x2d, Si, Ai, emb, Wa1, Wb1, Wc1, st1, a2, b2, v2, Wc2)

    x2, st2 = pl.pallas_call(
        _prepB,
        in_specs=[_full((V, H))] * 3 + [_full((8, H)), _full((V, H))],
        out_specs=[_full((V, H)), _full((8, H))],
        out_shape=[vh, st],
        grid=(1,),
    )(u2, num2, den2, raw2, x1)

    s2 = pl.pallas_call(
        _pass3,
        grid=(NT3,),
        in_specs=[_full((V, FIN)), _rows((TI3, V)), _full((2, FIN)),
                  _full((FIN, H)), _full((FIN, H)), _full((FIN, H)),
                  _full((8, H)), _rows((TI3, V, H)), _full((8, H))],
        out_specs=[_rows((TI3, V, H))],
        out_shape=[jax.ShapeDtypeStruct((V, V, H), f32)],
    )(x2d, Si, emb, Wa1, Wb1, Wc1, st1, e2, st2)[0]

    return (x2[None], s2[None])

# --- scband reference (transcript-rebuilt; emitter-appended) ---
"""Pipeline reference for scband-gated-switches-encoder-11227044512148 (READ-ONLY COPY).

The authoritative reference and input builder live on the scoring server;
editing this copy changes nothing except your own understanding.
"""

import jax, jax.numpy as jnp
import numpy as np

B, V, FIN, H = 1, 512, 32, 64


def _norm(t):
    # batch-norm style normalization over all axes except feature (learn_norm=False)
    axes = tuple(range(t.ndim - 1))
    mu = jnp.mean(t, axis=axes, keepdims=True)
    var = jnp.var(t, axis=axes, keepdims=True)
    return (t - mu) / jnp.sqrt(var + 1e-5)


def _gated_layer(x, s, adj, Wu, Wv, Wa, Wb, Wc, residual):
    # GatedGCN-style anisotropic message passing over dense adjacency
    Ux = x @ Wu                       # (B,V,H)
    Vx = x @ Wv                       # (B,V,H)
    e = (x @ Wa)[:, :, None, :] + (x @ Wb)[:, None, :, :] + s @ Wc  # (B,V,V,H)
    gates = jax.nn.sigmoid(e)
    m = gates * Vx[:, None, :, :] * adj            # (B,V,V,H)
    num = jnp.sum(m, axis=2)                       # (B,V,H)
    den = jnp.sum(gates * adj, axis=2) + 1e-6      # mean aggregation
    h = Ux + num / den
    h = jax.nn.relu(_norm(h))
    e_n = jax.nn.relu(_norm(e))
    if residual:
        return x + h, s + e_n
    return h, e_n


def setup_inputs(seed: int = 0):
    key = jax.random.key(seed)
    ks = jax.random.split(key, 16)
    x = jax.random.normal(ks[0], (B, V, FIN), dtype=jnp.float32)
    A = jax.random.randint(ks[1], (B, V, V), 0, 2, dtype=jnp.int64)
    S = jax.random.randint(ks[2], (B, V, V), 0, 2, dtype=jnp.int64)
    emb = jax.random.normal(ks[3], (2, FIN), dtype=jnp.float32) * 0.02
    def w(k, fi, fo):
        return jax.random.normal(k, (fi, fo), dtype=jnp.float32) / np.sqrt(fi)
    # first layer: FIN -> H
    Wu1, Wv1, Wa1, Wb1 = [w(ks[4 + i], FIN, H) for i in range(4)]
    Wc1 = w(ks[8], FIN, H)
    # hidden layer: H -> H
    Wu2, Wv2, Wa2, Wb2 = [w(ks[9 + i], H, H) for i in range(4)]
    Wc2 = w(ks[13], H, H)
    return {"x": x, "A": A, "S": S, "emb": emb,
            "Wu1": Wu1, "Wv1": Wv1, "Wa1": Wa1, "Wb1": Wb1, "Wc1": Wc1,
            "Wu2": Wu2, "Wv2": Wv2, "Wa2": Wa2, "Wb2": Wb2, "Wc2": Wc2}


def reference(x, A, S, emb, Wu1, Wv1, Wa1, Wb1, Wc1, Wu2, Wv2, Wa2, Wb2, Wc2):
    # init_embed_edges: embedding lookup on switch indicator matrix
    s = jnp.take(emb, S.astype(jnp.int32), axis=0)          # (B,V,V,FIN)
    adj = jnp.clip(A + S, 0, 1).astype(jnp.float32)[..., None]  # (B,V,V,1)
    x1, s1 = _gated_layer(x, s, adj, Wu1, Wv1, Wa1, Wb1, Wc1, residual=False)
    x2, s2 = _gated_layer(x1, s1, adj, Wu2, Wv2, Wa2, Wb2, Wc2, residual=True)
    return (x2, s2)

if __name__ == "__main__":
    import jax
    _d = setup_inputs()
    print(jax.jit(kernel)(*tuple(_d.values())))

</pallas_src>

<mosaic_0001>
module attributes {stable_mosaic.version = 14 : i64} {
  func.func @_pass1(%arg0: i32, %arg1: memref<512x32xf32, #tpu.memory_space<vmem>>, %arg2: memref<32x512xi32, #tpu.memory_space<vmem>>, %arg3: memref<32x512xi32, #tpu.memory_space<vmem>>, %arg4: memref<2x32xf32, #tpu.memory_space<vmem>>, %arg5: memref<32x64xf32, #tpu.memory_space<vmem>>, %arg6: memref<32x64xf32, #tpu.memory_space<vmem>>, %arg7: memref<32x64xf32, #tpu.memory_space<vmem>>, %arg8: memref<32x64xf32, #tpu.memory_space<vmem>>, %arg9: memref<32x64xf32, #tpu.memory_space<vmem>>, %arg10: memref<32x64xf32, #tpu.memory_space<vmem>>, %arg11: memref<8x64xf32, #tpu.memory_space<vmem>>) attributes {dimension_semantics = [#tpu.dimension_semantics<arbitrary>], iteration_bounds = array<i64: 16>, scalar_prefetch = 0 : i64, scratch_operands = 0 : i64, tpu.core_type = #tpu.core_type<tc>, window_params = [{pipeline_mode = #tpu.pipeline_mode<synchronous>, transform_indices = @transform_0, window_bounds = array<i64: 512, 32>}, {transform_indices = @transform_1, window_bounds = array<i64: 32, 512>}, {transform_indices = @transform_2, window_bounds = array<i64: 32, 512>}, {pipeline_mode = #tpu.pipeline_mode<synchronous>, transform_indices = @transform_3, window_bounds = array<i64: 2, 32>}, {pipeline_mode = #tpu.pipeline_mode<synchronous>, transform_indices = @transform_4, window_bounds = array<i64: 32, 64>}, {pipeline_mode = #tpu.pipeline_mode<synchronous>, transform_indices = @transform_5, window_bounds = array<i64: 32, 64>}, {pipeline_mode = #tpu.pipeline_mode<synchronous>, transform_indices = @transform_6, window_bounds = array<i64: 32, 64>}, {pipeline_mode = #tpu.pipeline_mode<synchronous>, transform_indices = @transform_7, window_bounds = array<i64: 32, 64>}, {transform_indices = @transform_8, window_bounds = array<i64: 32, 64>}, {transform_indices = @transform_9, window_bounds = array<i64: 32, 64>}, {pipeline_mode = #tpu.pipeline_mode<synchronous>, transform_indices = @transform_10, window_bounds = array<i64: 8, 64>}]} {
    %get3A = arith.constant 0 : index
    %get3A_0 = arith.constant 0 : index
    %get3A_1 = vector.load %arg1[%get3A, %get3A_0] : memref<512x32xf32, #tpu.memory_space<vmem>>, vector<512x32xf32>
    %mul3A = arith.constant 32 : i32
    %mul3A_2 = arith.muli %arg0, %mul3A : i32
    %get3A_3 = arith.index_cast %mul3A_2 : i32 to index
    %get3A_4 = arith.constant 0 : index
    %get3A_5 = vector.load %arg1[%get3A_3, %get3A_4] : memref<512x32xf32, #tpu.memory_space<vmem>>, vector<32x32xf32>
    %get3A_6 = arith.constant 0 : index
    %get3A_7 = arith.constant 0 : index
    %get3A_8 = vector.load %arg5[%get3A_6, %get3A_7] : memref<32x64xf32, #tpu.memory_space<vmem>>, vector<32x64xf32>
    %dot_general3A = arith.constant dense<0.000000e+00> : vector<32x64xf32>
    %dot_general3A_9 = tpu.matmul %get3A_5, %get3A_8, %dot_general3A {dimension_numbers = #tpu.dot_dimension_numbers<[1], [0], [0], [1], [0, 0, 1, 1], [], []>, precision = #tpu.contract_precision<fp32>, transpose_lhs_hint = false} : vector<32x32xf32>, vector<32x64xf32>, vector<32x64xf32> -> vector<32x64xf32>
    %get3A_10 = arith.constant 0 : index
    %get3A_11 = arith.constant 0 : index
    %get3A_12 = vector.load %arg6[%get3A_10, %get3A_11] : memref<32x64xf32, #tpu.memory_space<vmem>>, vector<32x64xf32>
    %dot_general3A_13 = arith.constant dense<0.000000e+00> : vector<512x64xf32>
    %dot_general3A_14 = tpu.matmul %get3A_1, %get3A_12, %dot_general3A_13 {dimension_numbers = #tpu.dot_dimension_numbers<[1], [0], [0], [1], [0, 0, 1, 1], [], []>, precision = #tpu.contract_precision<fp32>, transpose_lhs_hint = false} : vector<512x32xf32>, vector<32x64xf32>, vector<512x64xf32> -> vector<512x64xf32>
    %get3A_15 = arith.constant 0 : index
    %get3A_16 = arith.constant 0 : index
    %get3A_17 = vector.load %arg4[%get3A_15, %get3A_16] : memref<2x32xf32, #tpu.memory_space<vmem>>, vector<2x32xf32>
    %get3A_18 = arith.constant 0 : index
    %get3A_19 = arith.constant 0 : index
    %get3A_20 = vector.load %arg7[%get3A_18, %get3A_19] : memref<32x64xf32, #tpu.memory_space<vmem>>, vector<32x64xf32>
    %dot_general3A_21 = arith.constant dense<0.000000e+00> : vector<2x64xf32>
    %dot_general3A_22 = tpu.matmul %get3A_17, %get3A_20, %dot_general3A_21 {dimension_numbers = #tpu.dot_dimension_numbers<[1], [0], [0], [1], [0, 0, 1, 1], [], []>, precision = #tpu.contract_precision<fp32>, transpose_lhs_hint = false} : vector<2x32xf32>, vector<32x64xf32>, vector<2x64xf32> -> vector<2x64xf32>
    %slice3A = vector.extract_strided_slice %dot_general3A_22 {offsets = [0, 0], sizes = [1, 64], strides = [1, 1]} : vector<2x64xf32> to vector<1x64xf32>
    %slice3A_23 = vector.extract_strided_slice %dot_general3A_22 {offsets = [1, 0], sizes = [1, 64], strides = [1, 1]} : vector<2x64xf32> to vector<1x64xf32>
    %sub3A = arith.subf %slice3A_23, %slice3A : vector<1x64xf32>
    %add3A = vector.broadcast %slice3A : vector<1x64xf32> to vector<512x64xf32>
    %add3A_24 = arith.addf %dot_general3A_14, %add3A : vector<512x64xf32>
    %get3A_25 = arith.constant 0 : index
    %get3A_26 = arith.constant 0 : index
    %get3A_27 = vector.load %arg2[%get3A_25, %get3A_26] : memref<32x512xi32, #tpu.memory_space<vmem>>, vector<32x512xi32>
    %convert_element_type3A = arith.sitofp %get3A_27 : vector<32x512xi32> to vector<32x512xf32>
    %broadcast_in_dim3A = vector.shape_cast %dot_general3A_9 : vector<32x64xf32> to vector<32x1x64xf32>
    %broadcast_in_dim3A_28 = vector.shape_cast %add3A_24 : vector<512x64xf32> to vector<1x512x64xf32>
    %add3A_29 = vector.broadcast %broadcast_in_dim3A : vector<32x1x64xf32> to vector<32x512x64xf32>
    %add3A_30 = vector.broadcast %broadcast_in_dim3A_28 : vector<1x512x64xf32> to vector<32x512x64xf32>
    %add3A_31 = arith.addf %add3A_29, %add3A_30 : vector<32x512x64xf32>
    %broadcast_in_dim3A_32 = vector.shape_cast %convert_element_type3A : vector<32x512xf32> to vector<32x512x1xf32>
    %broadcast_in_dim3A_33 = vector.shape_cast %sub3A : vector<1x64xf32> to vector<1x1x64xf32>
    %mul3A_34 = vector.broadcast %broadcast_in_dim3A_32 : vector<32x512x1xf32> to vector<32x512x64xf32>
    %mul3A_35 = vector.broadcast %broadcast_in_dim3A_33 : vector<1x1x64xf32> to vector<32x512x64xf32>
    %mul3A_36 = arith.mulf %mul3A_34, %mul3A_35 : vector<32x512x64xf32>
    %add3A_37 = arith.addf %add3A_31, %mul3A_36 : vector<32x512x64xf32>
    %get3A_38 = arith.constant 0 : index
    %get3A_39 = arith.constant 0 : index
    %get3A_40 = vector.load %arg1[%get3A_38, %get3A_39] : memref<512x32xf32, #tpu.memory_space<vmem>>, vector<512x32xf32>
    %get3A_41 = arith.constant 0 : index
    %get3A_42 = arith.constant 0 : index
    %get3A_43 = vector.load %arg8[%get3A_41, %get3A_42] : memref<32x64xf32, #tpu.memory_space<vmem>>, vector<32x64xf32>
    %dot_general3A_44 = arith.constant dense<0.000000e+00> : vector<512x64xf32>
    %dot_general3A_45 = tpu.matmul %get3A_40, %get3A_43, %dot_general3A_44 {dimension_numbers = #tpu.dot_dimension_numbers<[1], [0], [0], [1], [0, 0, 1, 1], [], []>, precision = #tpu.contract_precision<fp32>, transpose_lhs_hint = false} : vector<512x32xf32>, vector<32x64xf32>, vector<512x64xf32> -> vector<512x64xf32>
    %get3A_46 = arith.constant 0 : index
    %get3A_47 = arith.constant 0 : index
    %get3A_48 = vector.load %arg3[%get3A_46, %get3A_47] : memref<32x512xi32, #tpu.memory_space<vmem>>, vector<32x512xi32>
    %get3A_49 = arith.constant 0 : index
    %get3A_50 = arith.constant 0 : index
    %get3A_51 = vector.load %arg2[%get3A_49, %get3A_50] : memref<32x512xi32, #tpu.memory_space<vmem>>, vector<32x512xi32>
    %add3A_52 = arith.addi %get3A_48, %get3A_51 : vector<32x512xi32>
    %min3A = arith.constant 1 : i32
    %min3A_53 = vector.broadcast %min3A : i32 to vector<32x512xi32>
    %min3A_54 = arith.minsi %add3A_52, %min3A_53 : vector<32x512xi32>
    %convert_element_type3A_55 = arith.sitofp %min3A_54 : vector<32x512xi32> to vector<32x512xf32>
    %logistic3A = arith.negf %add3A_37 : vector<32x512x64xf32>
    %logistic3A_56 = math.exp %logistic3A : vector<32x512x64xf32>
    %logistic3A_57 = arith.constant 1.000000e+00 : f32
    %logistic3A_58 = vector.broadcast %logistic3A_57 : f32 to vector<32x512x64xf32>
    %logistic3A_59 = arith.addf %logistic3A_58, %logistic3A_56 : vector<32x512x64xf32>
    %logistic3A_60 = arith.divf %logistic3A_58, %logistic3A_59 : vector<32x512x64xf32>
    %broadcast_in_dim3A_61 = vector.shape_cast %convert_element_type3A_55 : vector<32x512xf32> to vector<32x512x1xf32>
    %mul3A_62 = vector.broadcast %broadcast_in_dim3A_61 : vector<32x512x1xf32> to vector<32x512x64xf32>
    %mul3A_63 = arith.mulf %logistic3A_60, %mul3A_62 : vector<32x512x64xf32>
    %broadcast_in_dim3A_64 = vector.shape_cast %dot_general3A_45 : vector<512x64xf32> to vector<1x512x64xf32>
    %mul3A_65 = vector.broadcast %broadcast_in_dim3A_64 : vector<1x512x64xf32> to vector<32x512x64xf32>
    %mul3A_66 = arith.mulf %mul3A_63, %mul3A_65 : vector<32x512x64xf32>
    %reduce_sum3A = arith.constant dense<0.000000e+00> : vector<32x64xf32>
    %reduce_sum3A_67 = vector.multi_reduction <add>, %mul3A_66, %reduce_sum3A [1] : vector<32x512x64xf32> to vector<32x64xf32>
    %swap3A = arith.constant 0 : index
    %swap3A_68 = arith.constant 0 : index
    %swap3A_69 = vector.load %arg9[%swap3A, %swap3A_68] : memref<32x64xf32, #tpu.memory_space<vmem>>, vector<32x64xf32>
    tpu.vector_store %arg9[%swap3A, %swap3A_68], %reduce_sum3A_67 {strides = array<i32>} : memref<32x64xf32, #tpu.memory_space<vmem>>, vector<32x64xf32>,
    %reduce_sum3A_70 = arith.constant dense<0.000000e+00> : vector<32x64xf32>
    %reduce_sum3A_71 = vector.multi_reduction <add>, %mul3A_63, %reduce_sum3A_70 [1] : vector<32x512x64xf32> to vector<32x64xf32>
    %swap3A_72 = arith.constant 0 : index
    %swap3A_73 = arith.constant 0 : index
    %swap3A_74 = vector.load %arg10[%swap3A_72, %swap3A_73] : memref<32x64xf32, #tpu.memory_space<vmem>>, vector<32x64xf32>
    tpu.vector_store %arg10[%swap3A_72, %swap3A_73], %reduce_sum3A_71 {strides = array<i32>} : memref<32x64xf32, #tpu.memory_space<vmem>>, vector<32x64xf32>,
    %reduce_sum3A_75 = arith.constant dense<0.000000e+00> : vector<32xf32>
    %reduce_sum3A_76 = vector.multi_reduction <add>, %convert_element_type3A, %reduce_sum3A_75 [1] : vector<32x512xf32> to vector<32xf32>
    %broadcast_in_dim3A_77 = vector.shape_cast %reduce_sum3A_76 : vector<32xf32> to vector<32x1xf32>
    %reduce_sum3A_78 = arith.constant dense<0.000000e+00> : vector<512xf32>
    %reduce_sum3A_79 = vector.multi_reduction <add>, %convert_element_type3A, %reduce_sum3A_78 [0] : vector<32x512xf32> to vector<512xf32>
    %broadcast_in_dim3A_80 = vector.shape_cast %reduce_sum3A_79 : vector<512xf32> to vector<1x512xf32>
    %mul3A_81 = vector.broadcast %broadcast_in_dim3A_77 : vector<32x1xf32> to vector<32x64xf32>
    %mul3A_82 = arith.mulf %dot_general3A_9, %mul3A_81 : vector<32x64xf32>
    %reduce_sum3A_83 = arith.constant dense<0.000000e+00> : vector<64xf32>
    %reduce_sum3A_84 = vector.multi_reduction <add>, %mul3A_82, %reduce_sum3A_83 [0] : vector<32x64xf32> to vector<64xf32>
    %broadcast_in_dim3A_85 = vector.shape_cast %reduce_sum3A_84 : vector<64xf32> to vector<1x64xf32>
    %dot_general3A_86 = arith.constant dense<0.000000e+00> : vector<1x64xf32>
    %dot_general3A_87 = tpu.matmul %broadcast_in_dim3A_80, %add3A_24, %dot_general3A_86 {dimension_numbers = #tpu.dot_dimension_numbers<[1], [0], [0], [1], [0, 0, 1, 1], [], []>, precision = #tpu.contract_precision<fp32>, transpose_lhs_hint = false} : vector<1x512xf32>, vector<512x64xf32>, vector<1x64xf32> -> vector<1x64xf32>
    %reduce_sum3A_88 = arith.constant dense<0.000000e+00> : vector<1xf32>
    %reduce_sum3A_89 = vector.multi_reduction <add>, %broadcast_in_dim3A_77, %reduce_sum3A_88 [0] : vector<32x1xf32> to vector<1xf32>
    %broadcast_in_dim3A_90 = vector.shape_cast %reduce_sum3A_89 : vector<1xf32> to vector<1x1xf32>
    %broadcast_in_dim3A_91 = vector.shape_cast %broadcast_in_dim3A_90 : vector<1x1xf32> to vector<1x1xf32>
    %broadcast_in_dim3A_92 = vector.broadcast %broadcast_in_dim3A_91 : vector<1x1xf32> to vector<1x64xf32>
    %broadcast_in_dim3A_93 = arith.constant 0.000000e+00 : f32
    %broadcast_in_dim3A_94 = vector.broadcast %broadcast_in_dim3A_93 : f32 to vector<5x64xf32>
    %concatenate3A = tpu.concatenate %broadcast_in_dim3A_85, %dot_general3A_87, %broadcast_in_dim3A_92, %broadcast_in_dim3A_94 in 0 : vector<1x64xf32>, vector<1x64xf32>, vector<1x64xf32>, vector<5x64xf32> -> vector<8x64xf32>
    %eq3A = arith.constant 0 : i32
    %eq3A_95 = arith.cmpi eq, %arg0, %eq3A : i32
    %convert_element_type3A_96 = arith.extui %eq3A_95 : i1 to i32
    %cond3A = arith.constant 0 : i32
    %cond3A_97 = arith.cmpi ne, %convert_element_type3A_96, %cond3A : i32
    scf.if %cond3A_97 {
      %swap3A_102 = arith.constant 0 : index
      %swap3A_103 = arith.constant 0 : index
      %swap3A_104 = vector.load %arg11[%swap3A_102, %swap3A_103] : memref<8x64xf32, #tpu.memory_space<vmem>>, vector<8x64xf32>
      tpu.vector_store %arg11[%swap3A_102, %swap3A_103], %concatenate3A {strides = array<i32>} : memref<8x64xf32, #tpu.memory_space<vmem>>, vector<8x64xf32>,
    } else {
    }
    %gt3A = arith.constant 0 : i32
    %gt3A_98 = arith.cmpi sgt, %arg0, %gt3A : i32
    %convert_element_type3A_99 = arith.extui %gt3A_98 : i1 to i32
    %cond3A_100 = arith.constant 0 : i32
    %cond3A_101 = arith.cmpi ne, %convert_element_type3A_99, %cond3A_100 : i32
    scf.if %cond3A_101 {
      %get3A_102 = arith.constant 0 : index
      %get3A_103 = arith.constant 0 : index
      %get3A_104 = vector.load %arg11[%get3A_102, %get3A_103] : memref<8x64xf32, #tpu.memory_space<vmem>>, vector<8x64xf32>
      %add3A_105 = arith.addf %get3A_104, %concatenate3A : vector<8x64xf32>
      %swap3A_106 = arith.constant 0 : index
      %swap3A_107 = arith.constant 0 : index
      %swap3A_108 = vector.load %arg11[%swap3A_106, %swap3A_107] : memref<8x64xf32, #tpu.memory_space<vmem>>, vector<8x64xf32>
      tpu.vector_store %arg11[%swap3A_106, %swap3A_107], %add3A_105 {strides = array<i32>} : memref<8x64xf32, #tpu.memory_space<vmem>>, vector<8x64xf32>,
    } else {
    }
    return
  }
  func.func @transform_0(%arg0: i32) -> (i32, i32) {
    %c0_i32 = arith.constant 0 : i32
    %c0_i32_0 = arith.constant 0 : i32
    %c0_i32_1 = arith.constant 0 : i32
    return %c0_i32, %c0_i32_0 : i32, i32
  }
  func.func @transform_1(%arg0: i32) -> (i32, i32) {
    %c0_i32 = arith.constant 0 : i32
    %c0_i32_0 = arith.constant 0 : i32
    return %arg0, %c0_i32 : i32, i32
  }
  func.func @transform_2(%arg0: i32) -> (i32, i32) {
    %c0_i32 = arith.constant 0 : i32
    %c0_i32_0 = arith.constant 0 : i32
    return %arg0, %c0_i32 : i32, i32
  }
  func.func @transform_3(%arg0: i32) -> (i32, i32) {
    %c0_i32 = arith.constant 0 : i32
    %c0_i32_0 = arith.constant 0 : i32
    %c0_i32_1 = arith.constant 0 : i32
    return %c0_i32, %c0_i32_0 : i32, i32
  }
  func.func @transform_4(%arg0: i32) -> (i32, i32) {
    %c0_i32 = arith.constant 0 : i32
    %c0_i32_0 = arith.constant 0 : i32
    %c0_i32_1 = arith.constant 0 : i32
    return %c0_i32, %c0_i32_0 : i32, i32
  }
  func.func @transform_5(%arg0: i32) -> (i32, i32) {
    %c0_i32 = arith.constant 0 : i32
    %c0_i32_0 = arith.constant 0 : i32
    %c0_i32_1 = arith.constant 0 : i32
    return %c0_i32, %c0_i32_0 : i32, i32
  }
  func.func @transform_6(%arg0: i32) -> (i32, i32) {
    %c0_i32 = arith.constant 0 : i32
    %c0_i32_0 = arith.constant 0 : i32
    %c0_i32_1 = arith.constant 0 : i32
    return %c0_i32, %c0_i32_0 : i32, i32
  }
  func.func @transform_7(%arg0: i32) -> (i32, i32) {
    %c0_i32 = arith.constant 0 : i32
    %c0_i32_0 = arith.constant 0 : i32
    %c0_i32_1 = arith.constant 0 : i32
    return %c0_i32, %c0_i32_0 : i32, i32
  }
  func.func @transform_8(%arg0: i32) -> (i32, i32) {
    %c0_i32 = arith.constant 0 : i32
    %c0_i32_0 = arith.constant 0 : i32
    return %arg0, %c0_i32 : i32, i32
  }
  func.func @transform_9(%arg0: i32) -> (i32, i32) {
    %c0_i32 = arith.constant 0 : i32
    %c0_i32_0 = arith.constant 0 : i32
    return %arg0, %c0_i32 : i32, i32
  }
  func.func @transform_10(%arg0: i32) -> (i32, i32) {
    %c0_i32 = arith.constant 0 : i32
    %c0_i32_0 = arith.constant 0 : i32
    %c0_i32_1 = arith.constant 0 : i32
    return %c0_i32, %c0_i32_0 : i32, i32
  }
}

module attributes {stable_mosaic.version = 14 : i64} {
  func.func @_pass2(%arg0: i32, %arg1: memref<512x32xf32, #tpu.memory_space<vmem>>, %arg2: memref<16x512xi32, #tpu.memory_space<vmem>>, %arg3: memref<16x512xi32, #tpu.memory_space<vmem>>, %arg4: memref<2x32xf32, #tpu.memory_space<vmem>>, %arg5: memref<32x64xf32, #tpu.memory_space<vmem>>, %arg6: memref<32x64xf32, #tpu.memory_space<vmem>>, %arg7: memref<32x64xf32, #tpu.memory_space<vmem>>, %arg8: memref<8x64xf32, #tpu.memory_space<vmem>>, %arg9: memref<16x64xf32, #tpu.memory_space<vmem>>, %arg10: memref<512x64xf32, #tpu.memory_space<vmem>>, %arg11: memref<512x64xf32, #tpu.memory_space<vmem>>, %arg12: memref<64x64xf32, #tpu.memory_space<vmem>>, %arg13: memref<16x64xf32, #tpu.memory_space<vmem>>, %arg14: memref<16x64xf32, #tpu.memory_space<vmem>>, %arg15: memref<8x64xf32, #tpu.memory_space<vmem>>, %arg16: memref<16x512x64xf32, #tpu.memory_space<vmem>>) attributes {dimension_semantics = [#tpu.dimension_semantics<arbitrary>], iteration_bounds = array<i64: 32>, scalar_prefetch = 0 : i64, scratch_operands = 0 : i64, tpu.core_type = #tpu.core_type<tc>, window_params = [{pipeline_mode = #tpu.pipeline_mode<synchronous>, transform_indices = @transform_0, window_bounds = array<i64: 512, 32>}, {transform_indices = @transform_1, window_bounds = array<i64: 16, 512>}, {transform_indices = @transform_2, window_bounds = array<i64: 16, 512>}, {pipeline_mode = #tpu.pipeline_mode<synchronous>, transform_indices = @transform_3, window_bounds = array<i64: 2, 32>}, {pipeline_mode = #tpu.pipeline_mode<synchronous>, transform_indices = @transform_4, window_bounds = array<i64: 32, 64>}, {pipeline_mode = #tpu.pipeline_mode<synchronous>, transform_indices = @transform_5, window_bounds = array<i64: 32, 64>}, {pipeline_mode = #tpu.pipeline_mode<synchronous>, transform_indices = @transform_6, window_bounds = array<i64: 32, 64>}, {pipeline_mode = #tpu.pipeline_mode<synchronous>, transform_indices = @transform_7, window_bounds = array<i64: 8, 64>}, {transform_indices = @transform_8, window_bounds = array<i64: 16, 64>}, {pipeline_mode = #tpu.pipeline_mode<synchronous>, transform_indices = @transform_9, window_bounds = array<i64: 512, 64>}, {pipeline_mode = #tpu.pipeline_mode<synchronous>, transform_indices = @transform_10, window_bounds = array<i64: 512, 64>}, {pipeline_mode = #tpu.pipeline_mode<synchronous>, transform_indices = @transform_11, window_bounds = array<i64: 64, 64>}, {transform_indices = @transform_12, window_bounds = array<i64: 16, 64>}, {transform_indices = @transform_13, window_bounds = array<i64: 16, 64>}, {pipeline_mode = #tpu.pipeline_mode<synchronous>, transform_indices = @transform_14, window_bounds = array<i64: 8, 64>}, {transform_indices = @transform_15, window_bounds = array<i64: 16, 512, 64>}]} {
    %get3A = arith.constant 0 : index
    %get3A_0 = arith.constant 0 : index
    %get3A_1 = vector.load %arg1[%get3A, %get3A_0] : memref<512x32xf32, #tpu.memory_space<vmem>>, vector<512x32xf32>
    %mul3A = arith.constant 16 : i32
    %mul3A_2 = arith.muli %arg0, %mul3A : i32
    %get3A_3 = arith.index_cast %mul3A_2 : i32 to index
    %get3A_4 = arith.constant 0 : index
    %get3A_5 = vector.load %arg1[%get3A_3, %get3A_4] : memref<512x32xf32, #tpu.memory_space<vmem>>, vector<16x32xf32>
    %get3A_6 = arith.constant 0 : index
    %get3A_7 = arith.constant 0 : index
    %get3A_8 = vector.load %arg5[%get3A_6, %get3A_7] : memref<32x64xf32, #tpu.memory_space<vmem>>, vector<32x64xf32>
    %dot_general3A = arith.constant dense<0.000000e+00> : vector<16x64xf32>
    %dot_general3A_9 = tpu.matmul %get3A_5, %get3A_8, %dot_general3A {dimension_numbers = #tpu.dot_dimension_numbers<[1], [0], [0], [1], [0, 0, 1, 1], [], []>, precision = #tpu.contract_precision<fp32>, transpose_lhs_hint = false} : vector<16x32xf32>, vector<32x64xf32>, vector<16x64xf32> -> vector<16x64xf32>
    %get3A_10 = arith.constant 0 : index
    %get3A_11 = arith.constant 0 : index
    %get3A_12 = vector.load %arg6[%get3A_10, %get3A_11] : memref<32x64xf32, #tpu.memory_space<vmem>>, vector<32x64xf32>
    %dot_general3A_13 = arith.constant dense<0.000000e+00> : vector<512x64xf32>
    %dot_general3A_14 = tpu.matmul %get3A_1, %get3A_12, %dot_general3A_13 {dimension_numbers = #tpu.dot_dimension_numbers<[1], [0], [0], [1], [0, 0, 1, 1], [], []>, precision = #tpu.contract_precision<fp32>, transpose_lhs_hint = false} : vector<512x32xf32>, vector<32x64xf32>, vector<512x64xf32> -> vector<512x64xf32>
    %get3A_15 = arith.constant 0 : index
    %get3A_16 = arith.constant 0 : index
    %get3A_17 = vector.load %arg4[%get3A_15, %get3A_16] : memref<2x32xf32, #tpu.memory_space<vmem>>, vector<2x32xf32>
    %get3A_18 = arith.constant 0 : index
    %get3A_19 = arith.constant 0 : index
    %get3A_20 = vector.load %arg7[%get3A_18, %get3A_19] : memref<32x64xf32, #tpu.memory_space<vmem>>, vector<32x64xf32>
    %dot_general3A_21 = arith.constant dense<0.000000e+00> : vector<2x64xf32>
    %dot_general3A_22 = tpu.matmul %get3A_17, %get3A_20, %dot_general3A_21 {dimension_numbers = #tpu.dot_dimension_numbers<[1], [0], [0], [1], [0, 0, 1, 1], [], []>, precision = #tpu.contract_precision<fp32>, transpose_lhs_hint = false} : vector<2x32xf32>, vector<32x64xf32>, vector<2x64xf32> -> vector<2x64xf32>
    %slice3A = vector.extract_strided_slice %dot_general3A_22 {offsets = [0, 0], sizes = [1, 64], strides = [1, 1]} : vector<2x64xf32> to vector<1x64xf32>
    %slice3A_23 = vector.extract_strided_slice %dot_general3A_22 {offsets = [1, 0], sizes = [1, 64], strides = [1, 1]} : vector<2x64xf32> to vector<1x64xf32>
    %sub3A = arith.subf %slice3A_23, %slice3A : vector<1x64xf32>
    %add3A = vector.broadcast %slice3A : vector<1x64xf32> to vector<512x64xf32>
    %add3A_24 = arith.addf %dot_general3A_14, %add3A : vector<512x64xf32>
    %get3A_25 = arith.constant 0 : index
    %get3A_26 = arith.constant 0 : index
    %get3A_27 = vector.load %arg2[%get3A_25, %get3A_26] : memref<16x512xi32, #tpu.memory_space<vmem>>, vector<16x512xi32>
    %convert_element_type3A = arith.sitofp %get3A_27 : vector<16x512xi32> to vector<16x512xf32>
    %broadcast_in_dim3A = vector.shape_cast %dot_general3A_9 : vector<16x64xf32> to vector<16x1x64xf32>
    %broadcast_in_dim3A_28 = vector.shape_cast %add3A_24 : vector<512x64xf32> to vector<1x512x64xf32>
    %add3A_29 = vector.broadcast %broadcast_in_dim3A : vector<16x1x64xf32> to vector<16x512x64xf32>
    %add3A_30 = vector.broadcast %broadcast_in_dim3A_28 : vector<1x512x64xf32> to vector<16x512x64xf32>
    %add3A_31 = arith.addf %add3A_29, %add3A_30 : vector<16x512x64xf32>
    %broadcast_in_dim3A_32 = vector.shape_cast %convert_element_type3A : vector<16x512xf32> to vector<16x512x1xf32>
    %broadcast_in_dim3A_33 = vector.shape_cast %sub3A : vector<1x64xf32> to vector<1x1x64xf32>
    %mul3A_34 = vector.broadcast %broadcast_in_dim3A_32 : vector<16x512x1xf32> to vector<16x512x64xf32>
    %mul3A_35 = vector.broadcast %broadcast_in_dim3A_33 : vector<1x1x64xf32> to vector<16x512x64xf32>
    %mul3A_36 = arith.mulf %mul3A_34, %mul3A_35 : vector<16x512x64xf32>
    %add3A_37 = arith.addf %add3A_31, %mul3A_36 : vector<16x512x64xf32>
    %get3A_38 = arith.constant 0 : index
    %get3A_39 = arith.constant 0 : index
    %get3A_40 = vector.load %arg8[%get3A_38, %get3A_39] : memref<8x64xf32, #tpu.memory_space<vmem>>, vector<1x64xf32>
    %broadcast_in_dim3A_41 = vector.shape_cast %get3A_40 : vector<1x64xf32> to vector<1x1x64xf32>
    %get3A_42 = arith.constant 1 : index
    %get3A_43 = arith.constant 0 : index
    %get3A_44 = vector.load %arg8[%get3A_42, %get3A_43] : memref<8x64xf32, #tpu.memory_space<vmem>>, vector<1x64xf32>
    %broadcast_in_dim3A_45 = vector.shape_cast %get3A_44 : vector<1x64xf32> to vector<1x1x64xf32>
    %sub3A_46 = vector.broadcast %broadcast_in_dim3A_41 : vector<1x1x64xf32> to vector<16x512x64xf32>
    %sub3A_47 = arith.subf %add3A_37, %sub3A_46 : vector<16x512x64xf32>
    %mul3A_48 = vector.broadcast %broadcast_in_dim3A_45 : vector<1x1x64xf32> to vector<16x512x64xf32>
    %mul3A_49 = arith.mulf %sub3A_47, %mul3A_48 : vector<16x512x64xf32>
    %max3A = arith.constant 0.000000e+00 : f32
    %max3A_50 = vector.broadcast %max3A : f32 to vector<16x512x64xf32>
    %max3A_51 = arith.maximumf %mul3A_49, %max3A_50 : vector<16x512x64xf32>
    %reshape3A = vector.shape_cast %max3A_51 : vector<16x512x64xf32> to vector<8192x64xf32>
    %get3A_52 = arith.constant 0 : index
    %get3A_53 = arith.constant 0 : index
    %get3A_54 = vector.load %arg12[%get3A_52, %get3A_53] : memref<64x64xf32, #tpu.memory_space<vmem>>, vector<64x64xf32>
    %dot_general3A_55 = arith.constant dense<0.000000e+00> : vector<8192x64xf32>
    %dot_general3A_56 = tpu.matmul %reshape3A, %get3A_54, %dot_general3A_55 {dimension_numbers = #tpu.dot_dimension_numbers<[1], [0], [0], [1], [0, 0, 1, 1], [], []>, transpose_lhs_hint = false} : vector<8192x64xf32>, vector<64x64xf32>, vector<8192x64xf32> -> vector<8192x64xf32>
    %reshape3A_57 = vector.shape_cast %dot_general3A_56 : vector<8192x64xf32> to vector<16x512x64xf32>
    %get3A_58 = arith.constant 0 : index
    %get3A_59 = arith.constant 0 : index
    %get3A_60 = vector.load %arg9[%get3A_58, %get3A_59] : memref<16x64xf32, #tpu.memory_space<vmem>>, vector<16x64xf32>
    %broadcast_in_dim3A_61 = vector.shape_cast %get3A_60 : vector<16x64xf32> to vector<16x1x64xf32>
    %get3A_62 = arith.constant 0 : index
    %get3A_63 = arith.constant 0 : index
    %get3A_64 = vector.load %arg10[%get3A_62, %get3A_63] : memref<512x64xf32, #tpu.memory_space<vmem>>, vector<512x64xf32>
    %broadcast_in_dim3A_65 = vector.shape_cast %get3A_64 : vector<512x64xf32> to vector<1x512x64xf32>
    %add3A_66 = vector.broadcast %broadcast_in_dim3A_61 : vector<16x1x64xf32> to vector<16x512x64xf32>
    %add3A_67 = vector.broadcast %broadcast_in_dim3A_65 : vector<1x512x64xf32> to vector<16x512x64xf32>
    %add3A_68 = arith.addf %add3A_66, %add3A_67 : vector<16x512x64xf32>
    %add3A_69 = arith.addf %add3A_68, %reshape3A_57 : vector<16x512x64xf32>
    %swap3A = arith.constant 0 : index
    %swap3A_70 = arith.constant 0 : index
    %swap3A_71 = arith.constant 0 : index
    %swap3A_72 = vector.load %arg16[%swap3A, %swap3A_70, %swap3A_71] : memref<16x512x64xf32, #tpu.memory_space<vmem>>, vector<16x512x64xf32>
    tpu.vector_store %arg16[%swap3A, %swap3A_70, %swap3A_71], %add3A_69 {strides = array<i32>} : memref<16x512x64xf32, #tpu.memory_space<vmem>>, vector<16x512x64xf32>,
    %get3A_73 = arith.constant 0 : index
    %get3A_74 = arith.constant 0 : index
    %get3A_75 = vector.load %arg3[%get3A_73, %get3A_74] : memref<16x512xi32, #tpu.memory_space<vmem>>, vector<16x512xi32>
    %get3A_76 = arith.constant 0 : index
    %get3A_77 = arith.constant 0 : index
    %get3A_78 = vector.load %arg2[%get3A_76, %get3A_77] : memref<16x512xi32, #tpu.memory_space<vmem>>, vector<16x512xi32>
    %add3A_79 = arith.addi %get3A_75, %get3A_78 : vector<16x512xi32>
    %min3A = arith.constant 1 : i32
    %min3A_80 = vector.broadcast %min3A : i32 to vector<16x512xi32>
    %min3A_81 = arith.minsi %add3A_79, %min3A_80 : vector<16x512xi32>
    %convert_element_type3A_82 = arith.sitofp %min3A_81 : vector<16x512xi32> to vector<16x512xf32>
    %logistic3A = arith.negf %add3A_69 : vector<16x512x64xf32>
    %logistic3A_83 = math.exp %logistic3A : vector<16x512x64xf32>
    %logistic3A_84 = arith.constant 1.000000e+00 : f32
    %logistic3A_85 = vector.broadcast %logistic3A_84 : f32 to vector<16x512x64xf32>
    %logistic3A_86 = arith.addf %logistic3A_85, %logistic3A_83 : vector<16x512x64xf32>
    %logistic3A_87 = arith.divf %logistic3A_85, %logistic3A_86 : vector<16x512x64xf32>
    %broadcast_in_dim3A_88 = vector.shape_cast %convert_element_type3A_82 : vector<16x512xf32> to vector<16x512x1xf32>
    %mul3A_89 = vector.broadcast %broadcast_in_dim3A_88 : vector<16x512x1xf32> to vector<16x512x64xf32>
    %mul3A_90 = arith.mulf %logistic3A_87, %mul3A_89 : vector<16x512x64xf32>
    %get3A_91 = arith.constant 0 : index
    %get3A_92 = arith.constant 0 : index
    %get3A_93 = vector.load %arg11[%get3A_91, %get3A_92] : memref<512x64xf32, #tpu.memory_space<vmem>>, vector<512x64xf32>
    %broadcast_in_dim3A_94 = vector.shape_cast %get3A_93 : vector<512x64xf32> to vector<1x512x64xf32>
    %mul3A_95 = vector.broadcast %broadcast_in_dim3A_94 : vector<1x512x64xf32> to vector<16x512x64xf32>
    %mul3A_96 = arith.mulf %mul3A_90, %mul3A_95 : vector<16x512x64xf32>
    %reduce_sum3A = arith.constant dense<0.000000e+00> : vector<16x64xf32>
    %reduce_sum3A_97 = vector.multi_reduction <add>, %mul3A_96, %reduce_sum3A [1] : vector<16x512x64xf32> to vector<16x64xf32>
    %swap3A_98 = arith.constant 0 : index
    %swap3A_99 = arith.constant 0 : index
    %swap3A_100 = vector.load %arg13[%swap3A_98, %swap3A_99] : memref<16x64xf32, #tpu.memory_space<vmem>>, vector<16x64xf32>
    tpu.vector_store %arg13[%swap3A_98, %swap3A_99], %reduce_sum3A_97 {strides = array<i32>} : memref<16x64xf32, #tpu.memory_space<vmem>>, vector<16x64xf32>,
    %reduce_sum3A_101 = arith.constant dense<0.000000e+00> : vector<16x64xf32>
    %reduce_sum3A_102 = vector.multi_reduction <add>, %mul3A_90, %reduce_sum3A_101 [1] : vector<16x512x64xf32> to vector<16x64xf32>
    %swap3A_103 = arith.constant 0 : index
    %swap3A_104 = arith.constant 0 : index
    %swap3A_105 = vector.load %arg14[%swap3A_103, %swap3A_104] : memref<16x64xf32, #tpu.memory_space<vmem>>, vector<16x64xf32>
    tpu.vector_store %arg14[%swap3A_103, %swap3A_104], %reduce_sum3A_102 {strides = array<i32>} : memref<16x64xf32, #tpu.memory_space<vmem>>, vector<16x64xf32>,
    %reduce_sum3A_106 = arith.constant dense<0.000000e+00> : vector<64xf32>
    %reduce_sum3A_107 = vector.multi_reduction <add>, %add3A_69, %reduce_sum3A_106 [0, 1] : vector<16x512x64xf32> to vector<64xf32>
    %broadcast_in_dim3A_108 = vector.shape_cast %reduce_sum3A_107 : vector<64xf32> to vector<1x64xf32>
    %mul3A_109 = arith.mulf %add3A_69, %add3A_69 : vector<16x512x64xf32>
    %reduce_sum3A_110 = arith.constant dense<0.000000e+00> : vector<64xf32>
    %reduce_sum3A_111 = vector.multi_reduction <add>, %mul3A_109, %reduce_sum3A_110 [0, 1] : vector<16x512x64xf32> to vector<64xf32>
    %broadcast_in_dim3A_112 = vector.shape_cast %reduce_sum3A_111 : vector<64xf32> to vector<1x64xf32>
    %broadcast_in_dim3A_113 = arith.constant 0.000000e+00 : f32
    %broadcast_in_dim3A_114 = vector.broadcast %broadcast_in_dim3A_113 : f32 to vector<6x64xf32>
    %concatenate3A = tpu.concatenate %broadcast_in_dim3A_108, %broadcast_in_dim3A_112, %broadcast_in_dim3A_114 in 0 : vector<1x64xf32>, vector<1x64xf32>, vector<6x64xf32> -> vector<8x64xf32>
    %eq3A = arith.constant 0 : i32
    %eq3A_115 = arith.cmpi eq, %arg0, %eq3A : i32
    %convert_element_type3A_116 = arith.extui %eq3A_115 : i1 to i32
    %cond3A = arith.constant 0 : i32
    %cond3A_117 = arith.cmpi ne, %convert_element_type3A_116, %cond3A : i32
    scf.if %cond3A_117 {
      %swap3A_122 = arith.constant 0 : index
      %swap3A_123 = arith.constant 0 : index
      %swap3A_124 = vector.load %arg15[%swap3A_122, %swap3A_123] : memref<8x64xf32, #tpu.memory_space<vmem>>, vector<8x64xf32>
      tpu.vector_store %arg15[%swap3A_122, %swap3A_123], %concatenate3A {strides = array<i32>} : memref<8x64xf32, #tpu.memory_space<vmem>>, vector<8x64xf32>,
    } else {
    }
    %gt3A = arith.constant 0 : i32
    %gt3A_118 = arith.cmpi sgt, %arg0, %gt3A : i32
    %convert_element_type3A_119 = arith.extui %gt3A_118 : i1 to i32
    %cond3A_120 = arith.constant 0 : i32
    %cond3A_121 = arith.cmpi ne, %convert_element_type3A_119, %cond3A_120 : i32
    scf.if %cond3A_121 {
      %get3A_122 = arith.constant 0 : index
      %get3A_123 = arith.constant 0 : index
      %get3A_124 = vector.load %arg15[%get3A_122, %get3A_123] : memref<8x64xf32, #tpu.memory_space<vmem>>, vector<8x64xf32>
      %add3A_125 = arith.addf %get3A_124, %concatenate3A : vector<8x64xf32>
      %swap3A_126 = arith.constant 0 : index
      %swap3A_127 = arith.constant 0 : index
      %swap3A_128 = vector.load %arg15[%swap3A_126, %swap3A_127] : memref<8x64xf32, #tpu.memory_space<vmem>>, vector<8x64xf32>
      tpu.vector_store %arg15[%swap3A_126, %swap3A_127], %add3A_125 {strides = array<i32>} : memref<8x64xf32, #tpu.memory_space<vmem>>, vector<8x64xf32>,
    } else {
    }
    return
  }
  func.func @transform_0(%arg0: i32) -> (i32, i32) {
    %c0_i32 = arith.constant 0 : i32
    %c0_i32_0 = arith.constant 0 : i32
    %c0_i32_1 = arith.constant 0 : i32
    return %c0_i32, %c0_i32_0 : i32, i32
  }
  func.func @transform_1(%arg0: i32) -> (i32, i32) {
    %c0_i32 = arith.constant 0 : i32
    %c0_i32_0 = arith.constant 0 : i32
    return %arg0, %c0_i32 : i32, i32
  }
  func.func @transform_2(%arg0: i32) -> (i32, i32) {
    %c0_i32 = arith.constant 0 : i32
    %c0_i32_0 = arith.constant 0 : i32
    return %arg0, %c0_i32 : i32, i32
  }
  func.func @transform_3(%arg0: i32) -> (i32, i32) {
    %c0_i32 = arith.constant 0 : i32
    %c0_i32_0 = arith.constant 0 : i32
    %c0_i32_1 = arith.constant 0 : i32
    return %c0_i32, %c0_i32_0 : i32, i32
  }
  func.func @transform_4(%arg0: i32) -> (i32, i32) {
    %c0_i32 = arith.constant 0 : i32
    %c0_i32_0 = arith.constant 0 : i32
    %c0_i32_1 = arith.constant 0 : i32
    return %c0_i32, %c0_i32_0 : i32, i32
  }
  func.func @transform_5(%arg0: i32) -> (i32, i32) {
    %c0_i32 = arith.constant 0 : i32
    %c0_i32_0 = arith.constant 0 : i32
    %c0_i32_1 = arith.constant 0 : i32
    return %c0_i32, %c0_i32_0 : i32, i32
  }
  func.func @transform_6(%arg0: i32) -> (i32, i32) {
    %c0_i32 = arith.constant 0 : i32
    %c0_i32_0 = arith.constant 0 : i32
    %c0_i32_1 = arith.constant 0 : i32
    return %c0_i32, %c0_i32_0 : i32, i32
  }
  func.func @transform_7(%arg0: i32) -> (i32, i32) {
    %c0_i32 = arith.constant 0 : i32
    %c0_i32_0 = arith.constant 0 : i32
    %c0_i32_1 = arith.constant 0 : i32
    return %c0_i32, %c0_i32_0 : i32, i32
  }
  func.func @transform_8(%arg0: i32) -> (i32, i32) {
    %c0_i32 = arith.constant 0 : i32
    %c0_i32_0 = arith.constant 0 : i32
    return %arg0, %c0_i32 : i32, i32
  }
  func.func @transform_9(%arg0: i32) -> (i32, i32) {
    %c0_i32 = arith.constant 0 : i32
    %c0_i32_0 = arith.constant 0 : i32
    %c0_i32_1 = arith.constant 0 : i32
    return %c0_i32, %c0_i32_0 : i32, i32
  }
  func.func @transform_10(%arg0: i32) -> (i32, i32) {
    %c0_i32 = arith.constant 0 : i32
    %c0_i32_0 = arith.constant 0 : i32
    %c0_i32_1 = arith.constant 0 : i32
    return %c0_i32, %c0_i32_0 : i32, i32
  }
  func.func @transform_11(%arg0: i32) -> (i32, i32) {
    %c0_i32 = arith.constant 0 : i32
    %c0_i32_0 = arith.constant 0 : i32
    %c0_i32_1 = arith.constant 0 : i32
    return %c0_i32, %c0_i32_0 : i32, i32
  }
  func.func @transform_12(%arg0: i32) -> (i32, i32) {
    %c0_i32 = arith.constant 0 : i32
    %c0_i32_0 = arith.constant 0 : i32
    return %arg0, %c0_i32 : i32, i32
  }
  func.func @transform_13(%arg0: i32) -> (i32, i32) {
    %c0_i32 = arith.constant 0 : i32
    %c0_i32_0 = arith.constant 0 : i32
    return %arg0, %c0_i32 : i32, i32
  }
  func.func @transform_14(%arg0: i32) -> (i32, i32) {
    %c0_i32 = arith.constant 0 : i32
    %c0_i32_0 = arith.constant 0 : i32
    %c0_i32_1 = arith.constant 0 : i32
    return %c0_i32, %c0_i32_0 : i32, i32
  }
  func.func @transform_15(%arg0: i32) -> (i32, i32, i32) {
    %c0_i32 = arith.constant 0 : i32
    %c0_i32_0 = arith.constant 0 : i32
    %c0_i32_1 = arith.constant 0 : i32
    return %arg0, %c0_i32, %c0_i32_0 : i32, i32, i32
  }
}

module attributes {stable_mosaic.version = 14 : i64} {
  func.func @_prepA(%arg0: i32, %arg1: memref<512x32xf32, #tpu.memory_space<vmem>>, %arg2: memref<2x32xf32, #tpu.memory_space<vmem>>, %arg3: memref<32x64xf32, #tpu.memory_space<vmem>>, %arg4: memref<32x64xf32, #tpu.memory_space<vmem>>, %arg5: memref<32x64xf32, #tpu.memory_space<vmem>>, %arg6: memref<32x64xf32, #tpu.memory_space<vmem>>, %arg7: memref<512x64xf32, #tpu.memory_space<vmem>>, %arg8: memref<512x64xf32, #tpu.memory_space<vmem>>, %arg9: memref<8x64xf32, #tpu.memory_space<vmem>>, %arg10: memref<64x64xf32, #tpu.memory_space<vmem>>, %arg11: memref<64x64xf32, #tpu.memory_space<vmem>>, %arg12: memref<64x64xf32, #tpu.memory_space<vmem>>, %arg13: memref<64x64xf32, #tpu.memory_space<vmem>>, %arg14: memref<512x64xf32, #tpu.memory_space<vmem>>, %arg15: memref<512x64xf32, #tpu.memory_space<vmem>>, %arg16: memref<512x64xf32, #tpu.memory_space<vmem>>, %arg17: memref<512x64xf32, #tpu.memory_space<vmem>>, %arg18: memref<512x64xf32, #tpu.memory_space<vmem>>, %arg19: memref<8x64xf32, #tpu.memory_space<vmem>>) attributes {dimension_semantics = [#tpu.dimension_semantics<arbitrary>], iteration_bounds = array<i64: 1>, scalar_prefetch = 0 : i64, scratch_operands = 0 : i64, tpu.core_type = #tpu.core_type<tc>, window_params = [{pipeline_mode = #tpu.pipeline_mode<synchronous>, transform_indices = @transform_0, window_bounds = array<i64: 512, 32>}, {pipeline_mode = #tpu.pipeline_mode<synchronous>, transform_indices = @transform_1, window_bounds = array<i64: 2, 32>}, {pipeline_mode = #tpu.pipeline_mode<synchronous>, transform_indices = @transform_2, window_bounds = array<i64: 32, 64>}, {pipeline_mode = #tpu.pipeline_mode<synchronous>, transform_indices = @transform_3, window_bounds = array<i64: 32, 64>}, {pipeline_mode = #tpu.pipeline_mode<synchronous>, transform_indices = @transform_4, window_bounds = array<i64: 32, 64>}, {pipeline_mode = #tpu.pipeline_mode<synchronous>, transform_indices = @transform_5, window_bounds = array<i64: 32, 64>}, {pipeline_mode = #tpu.pipeline_mode<synchronous>, transform_indices = @transform_6, window_bounds = array<i64: 512, 64>}, {pipeline_mode = #tpu.pipeline_mode<synchronous>, transform_indices = @transform_7, window_bounds = array<i64: 512, 64>}, {pipeline_mode = #tpu.pipeline_mode<synchronous>, transform_indices = @transform_8, window_bounds = array<i64: 8, 64>}, {pipeline_mode = #tpu.pipeline_mode<synchronous>, transform_indices = @transform_9, window_bounds = array<i64: 64, 64>}, {pipeline_mode = #tpu.pipeline_mode<synchronous>, transform_indices = @transform_10, window_bounds = array<i64: 64, 64>}, {pipeline_mode = #tpu.pipeline_mode<synchronous>, transform_indices = @transform_11, window_bounds = array<i64: 64, 64>}, {pipeline_mode = #tpu.pipeline_mode<synchronous>, transform_indices = @transform_12, window_bounds = array<i64: 64, 64>}, {pipeline_mode = #tpu.pipeline_mode<synchronous>, transform_indices = @transform_13, window_bounds = array<i64: 512, 64>}, {pipeline_mode = #tpu.pipeline_mode<synchronous>, transform_indices = @transform_14, window_bounds = array<i64: 512, 64>}, {pipeline_mode = #tpu.pipeline_mode<synchronous>, transform_indices = @transform_15, window_bounds = array<i64: 512, 64>}, {pipeline_mode = #tpu.pipeline_mode<synchronous>, transform_indices = @transform_16, window_bounds = array<i64: 512, 64>}, {pipeline_mode = #tpu.pipeline_mode<synchronous>, transform_indices = @transform_17, window_bounds = array<i64: 512, 64>}, {pipeline_mode = #tpu.pipeline_mode<synchronous>, transform_indices = @transform_18, window_bounds = array<i64: 8, 64>}]} {
    %get3A = arith.constant 0 : index
    %get3A_0 = arith.constant 0 : index
    %get3A_1 = vector.load %arg1[%get3A, %get3A_0] : memref<512x32xf32, #tpu.memory_space<vmem>>, vector<512x32xf32>
    %get3A_2 = arith.constant 0 : index
    %get3A_3 = arith.constant 0 : index
    %get3A_4 = vector.load %arg6[%get3A_2, %get3A_3] : memref<32x64xf32, #tpu.memory_space<vmem>>, vector<32x64xf32>
    %dot_general3A = arith.constant dense<0.000000e+00> : vector<512x64xf32>
    %dot_general3A_5 = tpu.matmul %get3A_1, %get3A_4, %dot_general3A {dimension_numbers = #tpu.dot_dimension_numbers<[1], [0], [0], [1], [0, 0, 1, 1], [], []>, precision = #tpu.contract_precision<fp32>, transpose_lhs_hint = false} : vector<512x32xf32>, vector<32x64xf32>, vector<512x64xf32> -> vector<512x64xf32>
    %get3A_6 = arith.constant 0 : index
    %get3A_7 = arith.constant 0 : index
    %get3A_8 = vector.load %arg7[%get3A_6, %get3A_7] : memref<512x64xf32, #tpu.memory_space<vmem>>, vector<512x64xf32>
    %get3A_9 = arith.constant 0 : index
    %get3A_10 = arith.constant 0 : index
    %get3A_11 = vector.load %arg8[%get3A_9, %get3A_10] : memref<512x64xf32, #tpu.memory_space<vmem>>, vector<512x64xf32>
    %add3A = arith.constant 9.99999997E-7 : f32
    %add3A_12 = vector.broadcast %add3A : f32 to vector<512x64xf32>
    %add3A_13 = arith.addf %get3A_11, %add3A_12 : vector<512x64xf32>
    %div3A = arith.divf %get3A_8, %add3A_13 : vector<512x64xf32>
    %add3A_14 = arith.addf %dot_general3A_5, %div3A : vector<512x64xf32>
    %reduce_sum3A = arith.constant dense<0.000000e+00> : vector<64xf32>
    %reduce_sum3A_15 = vector.multi_reduction <add>, %add3A_14, %reduce_sum3A [0] : vector<512x64xf32> to vector<64xf32>
    %broadcast_in_dim3A = vector.shape_cast %reduce_sum3A_15 : vector<64xf32> to vector<1x64xf32>
    %div3A_16 = arith.constant 5.120000e+02 : f32
    %div3A_17 = vector.broadcast %div3A_16 : f32 to vector<1x64xf32>
    %div3A_18 = arith.divf %broadcast_in_dim3A, %div3A_17 : vector<1x64xf32>
    %sub3A = vector.broadcast %div3A_18 : vector<1x64xf32> to vector<512x64xf32>
    %sub3A_19 = arith.subf %add3A_14, %sub3A : vector<512x64xf32>
    %integer_pow3A = arith.mulf %sub3A_19, %sub3A_19 : vector<512x64xf32>
    %reduce_sum3A_20 = arith.constant dense<0.000000e+00> : vector<64xf32>
    %reduce_sum3A_21 = vector.multi_reduction <add>, %integer_pow3A, %reduce_sum3A_20 [0] : vector<512x64xf32> to vector<64xf32>
    %broadcast_in_dim3A_22 = vector.shape_cast %reduce_sum3A_21 : vector<64xf32> to vector<1x64xf32>
    %div3A_23 = arith.constant 5.120000e+02 : f32
    %div3A_24 = vector.broadcast %div3A_23 : f32 to vector<1x64xf32>
    %div3A_25 = arith.divf %broadcast_in_dim3A_22, %div3A_24 : vector<1x64xf32>
    %sub3A_26 = vector.broadcast %div3A_18 : vector<1x64xf32> to vector<512x64xf32>
    %sub3A_27 = arith.subf %add3A_14, %sub3A_26 : vector<512x64xf32>
    %add3A_28 = arith.constant 9.99999974E-6 : f32
    %add3A_29 = vector.broadcast %add3A_28 : f32 to vector<1x64xf32>
    %add3A_30 = arith.addf %div3A_25, %add3A_29 : vector<1x64xf32>
    %sqrt3A = math.sqrt %add3A_30 : vector<1x64xf32>
    %div3A_31 = vector.broadcast %sqrt3A : vector<1x64xf32> to vector<512x64xf32>
    %div3A_32 = arith.divf %sub3A_27, %div3A_31 : vector<512x64xf32>
    %max3A = arith.constant 0.000000e+00 : f32
    %max3A_33 = vector.broadcast %max3A : f32 to vector<512x64xf32>
    %max3A_34 = arith.maximumf %div3A_32, %max3A_33 : vector<512x64xf32>
    %swap3A = arith.constant 0 : index
    %swap3A_35 = arith.constant 0 : index
    %swap3A_36 = vector.load %arg14[%swap3A, %swap3A_35] : memref<512x64xf32, #tpu.memory_space<vmem>>, vector<512x64xf32>
    tpu.vector_store %arg14[%swap3A, %swap3A_35], %max3A_34 {strides = array<i32>} : memref<512x64xf32, #tpu.memory_space<vmem>>, vector<512x64xf32>,
    %get3A_37 = arith.constant 0 : index
    %get3A_38 = arith.constant 0 : index
    %get3A_39 = vector.load %arg10[%get3A_37, %get3A_38] : memref<64x64xf32, #tpu.memory_space<vmem>>, vector<64x64xf32>
    %dot_general3A_40 = arith.constant dense<0.000000e+00> : vector<512x64xf32>
    %dot_general3A_41 = tpu.matmul %max3A_34, %get3A_39, %dot_general3A_40 {dimension_numbers = #tpu.dot_dimension_numbers<[1], [0], [0], [1], [0, 0, 1, 1], [], []>, precision = #tpu.contract_precision<fp32>, transpose_lhs_hint = false} : vector<512x64xf32>, vector<64x64xf32>, vector<512x64xf32> -> vector<512x64xf32>
    %swap3A_42 = arith.constant 0 : index
    %swap3A_43 = arith.constant 0 : index
    %swap3A_44 = vector.load %arg15[%swap3A_42, %swap3A_43] : memref<512x64xf32, #tpu.memory_space<vmem>>, vector<512x64xf32>
    tpu.vector_store %arg15[%swap3A_42, %swap3A_43], %dot_general3A_41 {strides = array<i32>} : memref<512x64xf32, #tpu.memory_space<vmem>>, vector<512x64xf32>,
    %get3A_45 = arith.constant 0 : index
    %get3A_46 = arith.constant 0 : index
    %get3A_47 = vector.load %arg11[%get3A_45, %get3A_46] : memref<64x64xf32, #tpu.memory_space<vmem>>, vector<64x64xf32>
    %dot_general3A_48 = arith.constant dense<0.000000e+00> : vector<512x64xf32>
    %dot_general3A_49 = tpu.matmul %max3A_34, %get3A_47, %dot_general3A_48 {dimension_numbers = #tpu.dot_dimension_numbers<[1], [0], [0], [1], [0, 0, 1, 1], [], []>, precision = #tpu.contract_precision<fp32>, transpose_lhs_hint = false} : vector<512x64xf32>, vector<64x64xf32>, vector<512x64xf32> -> vector<512x64xf32>
    %swap3A_50 = arith.constant 0 : index
    %swap3A_51 = arith.constant 0 : index
    %swap3A_52 = vector.load %arg16[%swap3A_50, %swap3A_51] : memref<512x64xf32, #tpu.memory_space<vmem>>, vector<512x64xf32>
    tpu.vector_store %arg16[%swap3A_50, %swap3A_51], %dot_general3A_49 {strides = array<i32>} : memref<512x64xf32, #tpu.memory_space<vmem>>, vector<512x64xf32>,
    %get3A_53 = arith.constant 0 : index
    %get3A_54 = arith.constant 0 : index
    %get3A_55 = vector.load %arg12[%get3A_53, %get3A_54] : memref<64x64xf32, #tpu.memory_space<vmem>>, vector<64x64xf32>
    %dot_general3A_56 = arith.constant dense<0.000000e+00> : vector<512x64xf32>
    %dot_general3A_57 = tpu.matmul %max3A_34, %get3A_55, %dot_general3A_56 {dimension_numbers = #tpu.dot_dimension_numbers<[1], [0], [0], [1], [0, 0, 1, 1], [], []>, precision = #tpu.contract_precision<fp32>, transpose_lhs_hint = false} : vector<512x64xf32>, vector<64x64xf32>, vector<512x64xf32> -> vector<512x64xf32>
    %swap3A_58 = arith.constant 0 : index
    %swap3A_59 = arith.constant 0 : index
    %swap3A_60 = vector.load %arg17[%swap3A_58, %swap3A_59] : memref<512x64xf32, #tpu.memory_space<vmem>>, vector<512x64xf32>
    tpu.vector_store %arg17[%swap3A_58, %swap3A_59], %dot_general3A_57 {strides = array<i32>} : memref<512x64xf32, #tpu.memory_space<vmem>>, vector<512x64xf32>,
    %get3A_61 = arith.constant 0 : index
    %get3A_62 = arith.constant 0 : index
    %get3A_63 = vector.load %arg13[%get3A_61, %get3A_62] : memref<64x64xf32, #tpu.memory_space<vmem>>, vector<64x64xf32>
    %dot_general3A_64 = arith.constant dense<0.000000e+00> : vector<512x64xf32>
    %dot_general3A_65 = tpu.matmul %max3A_34, %get3A_63, %dot_general3A_64 {dimension_numbers = #tpu.dot_dimension_numbers<[1], [0], [0], [1], [0, 0, 1, 1], [], []>, precision = #tpu.contract_precision<fp32>, transpose_lhs_hint = false} : vector<512x64xf32>, vector<64x64xf32>, vector<512x64xf32> -> vector<512x64xf32>
    %swap3A_66 = arith.constant 0 : index
    %swap3A_67 = arith.constant 0 : index
    %swap3A_68 = vector.load %arg18[%swap3A_66, %swap3A_67] : memref<512x64xf32, #tpu.memory_space<vmem>>, vector<512x64xf32>
    tpu.vector_store %arg18[%swap3A_66, %swap3A_67], %dot_general3A_65 {strides = array<i32>} : memref<512x64xf32, #tpu.memory_space<vmem>>, vector<512x64xf32>,
    %get3A_69 = arith.constant 0 : index
    %get3A_70 = arith.constant 0 : index
    %get3A_71 = vector.load %arg3[%get3A_69, %get3A_70] : memref<32x64xf32, #tpu.memory_space<vmem>>, vector<32x64xf32>
    %dot_general3A_72 = arith.constant dense<0.000000e+00> : vector<512x64xf32>
    %dot_general3A_73 = tpu.matmul %get3A_1, %get3A_71, %dot_general3A_72 {dimension_numbers = #tpu.dot_dimension_numbers<[1], [0], [0], [1], [0, 0, 1, 1], [], []>, precision = #tpu.contract_precision<fp32>, transpose_lhs_hint = false} : vector<512x32xf32>, vector<32x64xf32>, vector<512x64xf32> -> vector<512x64xf32>
    %get3A_74 = arith.constant 0 : index
    %get3A_75 = arith.constant 0 : index
    %get3A_76 = vector.load %arg2[%get3A_74, %get3A_75] : memref<2x32xf32, #tpu.memory_space<vmem>>, vector<2x32xf32>
    %get3A_77 = arith.constant 0 : index
    %get3A_78 = arith.constant 0 : index
    %get3A_79 = vector.load %arg5[%get3A_77, %get3A_78] : memref<32x64xf32, #tpu.memory_space<vmem>>, vector<32x64xf32>
    %dot_general3A_80 = arith.constant dense<0.000000e+00> : vector<2x64xf32>
    %dot_general3A_81 = tpu.matmul %get3A_76, %get3A_79, %dot_general3A_80 {dimension_numbers = #tpu.dot_dimension_numbers<[1], [0], [0], [1], [0, 0, 1, 1], [], []>, precision = #tpu.contract_precision<fp32>, transpose_lhs_hint = false} : vector<2x32xf32>, vector<32x64xf32>, vector<2x64xf32> -> vector<2x64xf32>
    %slice3A = vector.extract_strided_slice %dot_general3A_81 {offsets = [0, 0], sizes = [1, 64], strides = [1, 1]} : vector<2x64xf32> to vector<1x64xf32>
    %slice3A_82 = vector.extract_strided_slice %dot_general3A_81 {offsets = [1, 0], sizes = [1, 64], strides = [1, 1]} : vector<2x64xf32> to vector<1x64xf32>
    %sub3A_83 = arith.subf %slice3A_82, %slice3A : vector<1x64xf32>
    %get3A_84 = arith.constant 0 : index
    %get3A_85 = arith.constant 0 : index
    %get3A_86 = vector.load %arg4[%get3A_84, %get3A_85] : memref<32x64xf32, #tpu.memory_space<vmem>>, vector<32x64xf32>
    %dot_general3A_87 = arith.constant dense<0.000000e+00> : vector<512x64xf32>
    %dot_general3A_88 = tpu.matmul %get3A_1, %get3A_86, %dot_general3A_87 {dimension_numbers = #tpu.dot_dimension_numbers<[1], [0], [0], [1], [0, 0, 1, 1], [], []>, precision = #tpu.contract_precision<fp32>, transpose_lhs_hint = false} : vector<512x32xf32>, vector<32x64xf32>, vector<512x64xf32> -> vector<512x64xf32>
    %add3A_89 = vector.broadcast %slice3A : vector<1x64xf32> to vector<512x64xf32>
    %add3A_90 = arith.addf %dot_general3A_88, %add3A_89 : vector<512x64xf32>
    %reduce_sum3A_91 = arith.constant dense<0.000000e+00> : vector<64xf32>
    %reduce_sum3A_92 = vector.multi_reduction <add>, %dot_general3A_73, %reduce_sum3A_91 [0] : vector<512x64xf32> to vector<64xf32>
    %broadcast_in_dim3A_93 = vector.shape_cast %reduce_sum3A_92 : vector<64xf32> to vector<1x64xf32>
    %mul3A = arith.mulf %dot_general3A_73, %dot_general3A_73 : vector<512x64xf32>
    %reduce_sum3A_94 = arith.constant dense<0.000000e+00> : vector<64xf32>
    %reduce_sum3A_95 = vector.multi_reduction <add>, %mul3A, %reduce_sum3A_94 [0] : vector<512x64xf32> to vector<64xf32>
    %broadcast_in_dim3A_96 = vector.shape_cast %reduce_sum3A_95 : vector<64xf32> to vector<1x64xf32>
    %reduce_sum3A_97 = arith.constant dense<0.000000e+00> : vector<64xf32>
    %reduce_sum3A_98 = vector.multi_reduction <add>, %add3A_90, %reduce_sum3A_97 [0] : vector<512x64xf32> to vector<64xf32>
    %broadcast_in_dim3A_99 = vector.shape_cast %reduce_sum3A_98 : vector<64xf32> to vector<1x64xf32>
    %mul3A_100 = arith.mulf %add3A_90, %add3A_90 : vector<512x64xf32>
    %reduce_sum3A_101 = arith.constant dense<0.000000e+00> : vector<64xf32>
    %reduce_sum3A_102 = vector.multi_reduction <add>, %mul3A_100, %reduce_sum3A_101 [0] : vector<512x64xf32> to vector<64xf32>
    %broadcast_in_dim3A_103 = vector.shape_cast %reduce_sum3A_102 : vector<64xf32> to vector<1x64xf32>
    %get3A_104 = arith.constant 0 : index
    %get3A_105 = arith.constant 0 : index
    %get3A_106 = vector.load %arg9[%get3A_104, %get3A_105] : memref<8x64xf32, #tpu.memory_space<vmem>>, vector<1x64xf32>
    %get3A_107 = arith.constant 1 : index
    %get3A_108 = arith.constant 0 : index
    %get3A_109 = vector.load %arg9[%get3A_107, %get3A_108] : memref<8x64xf32, #tpu.memory_space<vmem>>, vector<1x64xf32>
    %get3A_110 = arith.constant 2 : index
    %get3A_111 = arith.constant 0 : index
    %get3A_112 = vector.load %arg9[%get3A_110, %get3A_111] : memref<8x64xf32, #tpu.memory_space<vmem>>, vector<1x64xf32>
    %mul3A_113 = arith.constant 5.120000e+02 : f32
    %mul3A_114 = arith.constant 5.120000e+02 : f32
    %mul3A_115 = arith.mulf %mul3A_113, %mul3A_114 : f32
    %mul3A_116 = arith.constant 5.120000e+02 : f32
    %mul3A_117 = vector.broadcast %mul3A_116 : f32 to vector<1x64xf32>
    %mul3A_118 = arith.mulf %mul3A_117, %broadcast_in_dim3A_93 : vector<1x64xf32>
    %mul3A_119 = arith.constant 5.120000e+02 : f32
    %mul3A_120 = vector.broadcast %mul3A_119 : f32 to vector<1x64xf32>
    %mul3A_121 = arith.mulf %mul3A_120, %broadcast_in_dim3A_99 : vector<1x64xf32>
    %add3A_122 = arith.addf %mul3A_118, %mul3A_121 : vector<1x64xf32>
    %mul3A_123 = arith.mulf %get3A_112, %sub3A_83 : vector<1x64xf32>
    %add3A_124 = arith.addf %add3A_122, %mul3A_123 : vector<1x64xf32>
    %mul3A_125 = arith.constant 5.120000e+02 : f32
    %mul3A_126 = vector.broadcast %mul3A_125 : f32 to vector<1x64xf32>
    %mul3A_127 = arith.mulf %mul3A_126, %broadcast_in_dim3A_96 : vector<1x64xf32>
    %mul3A_128 = arith.constant 5.120000e+02 : f32
    %mul3A_129 = vector.broadcast %mul3A_128 : f32 to vector<1x64xf32>
    %mul3A_130 = arith.mulf %mul3A_129, %broadcast_in_dim3A_103 : vector<1x64xf32>
    %add3A_131 = arith.addf %mul3A_127, %mul3A_130 : vector<1x64xf32>
    %mul3A_132 = arith.constant 2.000000e+00 : f32
    %mul3A_133 = vector.broadcast %mul3A_132 : f32 to vector<1x64xf32>
    %mul3A_134 = arith.mulf %mul3A_133, %broadcast_in_dim3A_93 : vector<1x64xf32>
    %mul3A_135 = arith.mulf %mul3A_134, %broadcast_in_dim3A_99 : vector<1x64xf32>
    %add3A_136 = arith.addf %add3A_131, %mul3A_135 : vector<1x64xf32>
    %mul3A_137 = arith.constant 2.000000e+00 : f32
    %mul3A_138 = vector.broadcast %mul3A_137 : f32 to vector<1x64xf32>
    %mul3A_139 = arith.mulf %mul3A_138, %sub3A_83 : vector<1x64xf32>
    %add3A_140 = arith.addf %get3A_106, %get3A_109 : vector<1x64xf32>
    %mul3A_141 = arith.mulf %mul3A_139, %add3A_140 : vector<1x64xf32>
    %add3A_142 = arith.addf %add3A_136, %mul3A_141 : vector<1x64xf32>
    %mul3A_143 = arith.mulf %sub3A_83, %sub3A_83 : vector<1x64xf32>
    %mul3A_144 = arith.mulf %mul3A_143, %get3A_112 : vector<1x64xf32>
    %add3A_145 = arith.addf %add3A_142, %mul3A_144 : vector<1x64xf32>
    %div3A_146 = vector.broadcast %mul3A_115 : f32 to vector<1x64xf32>
    %div3A_147 = arith.divf %add3A_124, %div3A_146 : vector<1x64xf32>
    %div3A_148 = vector.broadcast %mul3A_115 : f32 to vector<1x64xf32>
    %div3A_149 = arith.divf %add3A_145, %div3A_148 : vector<1x64xf32>
    %mul3A_150 = arith.mulf %div3A_147, %div3A_147 : vector<1x64xf32>
    %sub3A_151 = arith.subf %div3A_149, %mul3A_150 : vector<1x64xf32>
    %add3A_152 = arith.constant 9.99999974E-6 : f32
    %add3A_153 = vector.broadcast %add3A_152 : f32 to vector<1x64xf32>
    %add3A_154 = arith.addf %sub3A_151, %add3A_153 : vector<1x64xf32>
    %rsqrt3A = math.rsqrt %add3A_154 : vector<1x64xf32>
    %broadcast_in_dim3A_155 = arith.constant 0.000000e+00 : f32
    %broadcast_in_dim3A_156 = vector.broadcast %broadcast_in_dim3A_155 : f32 to vector<6x64xf32>
    %concatenate3A = tpu.concatenate %div3A_147, %rsqrt3A, %broadcast_in_dim3A_156 in 0 : vector<1x64xf32>, vector<1x64xf32>, vector<6x64xf32> -> vector<8x64xf32>
    %swap3A_157 = arith.constant 0 : index
    %swap3A_158 = arith.constant 0 : index
    %swap3A_159 = vector.load %arg19[%swap3A_157, %swap3A_158] : memref<8x64xf32, #tpu.memory_space<vmem>>, vector<8x64xf32>
    tpu.vector_store %arg19[%swap3A_157, %swap3A_158], %concatenate3A {strides = array<i32>} : memref<8x64xf32, #tpu.memory_space<vmem>>, vector<8x64xf32>,
    return
  }
  func.func @transform_0(%arg0: i32) -> (i32, i32) {
    %c0_i32 = arith.constant 0 : i32
    %c0_i32_0 = arith.constant 0 : i32
    %c0_i32_1 = arith.constant 0 : i32
    return %c0_i32, %c0_i32_0 : i32, i32
  }
  func.func @transform_1(%arg0: i32) -> (i32, i32) {
    %c0_i32 = arith.constant 0 : i32
    %c0_i32_0 = arith.constant 0 : i32
    %c0_i32_1 = arith.constant 0 : i32
    return %c0_i32, %c0_i32_0 : i32, i32
  }
  func.func @transform_2(%arg0: i32) -> (i32, i32) {
    %c0_i32 = arith.constant 0 : i32
    %c0_i32_0 = arith.constant 0 : i32
    %c0_i32_1 = arith.constant 0 : i32
    return %c0_i32, %c0_i32_0 : i32, i32
  }
  func.func @transform_3(%arg0: i32) -> (i32, i32) {
    %c0_i32 = arith.constant 0 : i32
    %c0_i32_0 = arith.constant 0 : i32
    %c0_i32_1 = arith.constant 0 : i32
    return %c0_i32, %c0_i32_0 : i32, i32
  }
  func.func @transform_4(%arg0: i32) -> (i32, i32) {
    %c0_i32 = arith.constant 0 : i32
    %c0_i32_0 = arith.constant 0 : i32
    %c0_i32_1 = arith.constant 0 : i32
    return %c0_i32, %c0_i32_0 : i32, i32
  }
  func.func @transform_5(%arg0: i32) -> (i32, i32) {
    %c0_i32 = arith.constant 0 : i32
    %c0_i32_0 = arith.constant 0 : i32
    %c0_i32_1 = arith.constant 0 : i32
    return %c0_i32, %c0_i32_0 : i32, i32
  }
  func.func @transform_6(%arg0: i32) -> (i32, i32) {
    %c0_i32 = arith.constant 0 : i32
    %c0_i32_0 = arith.constant 0 : i32
    %c0_i32_1 = arith.constant 0 : i32
    return %c0_i32, %c0_i32_0 : i32, i32
  }
  func.func @transform_7(%arg0: i32) -> (i32, i32) {
    %c0_i32 = arith.constant 0 : i32
    %c0_i32_0 = arith.constant 0 : i32
    %c0_i32_1 = arith.constant 0 : i32
    return %c0_i32, %c0_i32_0 : i32, i32
  }
  func.func @transform_8(%arg0: i32) -> (i32, i32) {
    %c0_i32 = arith.constant 0 : i32
    %c0_i32_0 = arith.constant 0 : i32
    %c0_i32_1 = arith.constant 0 : i32
    return %c0_i32, %c0_i32_0 : i32, i32
  }
  func.func @transform_9(%arg0: i32) -> (i32, i32) {
    %c0_i32 = arith.constant 0 : i32
    %c0_i32_0 = arith.constant 0 : i32
    %c0_i32_1 = arith.constant 0 : i32
    return %c0_i32, %c0_i32_0 : i32, i32
  }
  func.func @transform_10(%arg0: i32) -> (i32, i32) {
    %c0_i32 = arith.constant 0 : i32
    %c0_i32_0 = arith.constant 0 : i32
    %c0_i32_1 = arith.constant 0 : i32
    return %c0_i32, %c0_i32_0 : i32, i32
  }
  func.func @transform_11(%arg0: i32) -> (i32, i32) {
    %c0_i32 = arith.constant 0 : i32
    %c0_i32_0 = arith.constant 0 : i32
    %c0_i32_1 = arith.constant 0 : i32
    return %c0_i32, %c0_i32_0 : i32, i32
  }
  func.func @transform_12(%arg0: i32) -> (i32, i32) {
    %c0_i32 = arith.constant 0 : i32
    %c0_i32_0 = arith.constant 0 : i32
    %c0_i32_1 = arith.constant 0 : i32
    return %c0_i32, %c0_i32_0 : i32, i32
  }
  func.func @transform_13(%arg0: i32) -> (i32, i32) {
    %c0_i32 = arith.constant 0 : i32
    %c0_i32_0 = arith.constant 0 : i32
    %c0_i32_1 = arith.constant 0 : i32
    return %c0_i32, %c0_i32_0 : i32, i32
  }
  func.func @transform_14(%arg0: i32) -> (i32, i32) {
    %c0_i32 = arith.constant 0 : i32
    %c0_i32_0 = arith.constant 0 : i32
    %c0_i32_1 = arith.constant 0 : i32
    return %c0_i32, %c0_i32_0 : i32, i32
  }
  func.func @transform_15(%arg0: i32) -> (i32, i32) {
    %c0_i32 = arith.constant 0 : i32
    %c0_i32_0 = arith.constant 0 : i32
    %c0_i32_1 = arith.constant 0 : i32
    return %c0_i32, %c0_i32_0 : i32, i32
  }
  func.func @transform_16(%arg0: i32) -> (i32, i32) {
    %c0_i32 = arith.constant 0 : i32
    %c0_i32_0 = arith.constant 0 : i32
    %c0_i32_1 = arith.constant 0 : i32
    return %c0_i32, %c0_i32_0 : i32, i32
  }
  func.func @transform_17(%arg0: i32) -> (i32, i32) {
    %c0_i32 = arith.constant 0 : i32
    %c0_i32_0 = arith.constant 0 : i32
    %c0_i32_1 = arith.constant 0 : i32
    return %c0_i32, %c0_i32_0 : i32, i32
  }
  func.func @transform_18(%arg0: i32) -> (i32, i32) {
    %c0_i32 = arith.constant 0 : i32
    %c0_i32_0 = arith.constant 0 : i32
    %c0_i32_1 = arith.constant 0 : i32
    return %c0_i32, %c0_i32_0 : i32, i32
  }
}

module attributes {stable_mosaic.version = 14 : i64} {
  func.func @_prepB(%arg0: i32, %arg1: memref<512x64xf32, #tpu.memory_space<vmem>>, %arg2: memref<512x64xf32, #tpu.memory_space<vmem>>, %arg3: memref<512x64xf32, #tpu.memory_space<vmem>>, %arg4: memref<8x64xf32, #tpu.memory_space<vmem>>, %arg5: memref<512x64xf32, #tpu.memory_space<vmem>>, %arg6: memref<512x64xf32, #tpu.memory_space<vmem>>, %arg7: memref<8x64xf32, #tpu.memory_space<vmem>>) attributes {dimension_semantics = [#tpu.dimension_semantics<arbitrary>], iteration_bounds = array<i64: 1>, scalar_prefetch = 0 : i64, scratch_operands = 0 : i64, tpu.core_type = #tpu.core_type<tc>, window_params = [{pipeline_mode = #tpu.pipeline_mode<synchronous>, transform_indices = @transform_0, window_bounds = array<i64: 512, 64>}, {pipeline_mode = #tpu.pipeline_mode<synchronous>, transform_indices = @transform_1, window_bounds = array<i64: 512, 64>}, {pipeline_mode = #tpu.pipeline_mode<synchronous>, transform_indices = @transform_2, window_bounds = array<i64: 512, 64>}, {pipeline_mode = #tpu.pipeline_mode<synchronous>, transform_indices = @transform_3, window_bounds = array<i64: 8, 64>}, {pipeline_mode = #tpu.pipeline_mode<synchronous>, transform_indices = @transform_4, window_bounds = array<i64: 512, 64>}, {pipeline_mode = #tpu.pipeline_mode<synchronous>, transform_indices = @transform_5, window_bounds = array<i64: 512, 64>}, {pipeline_mode = #tpu.pipeline_mode<synchronous>, transform_indices = @transform_6, window_bounds = array<i64: 8, 64>}]} {
    %get3A = arith.constant 0 : index
    %get3A_0 = arith.constant 0 : index
    %get3A_1 = vector.load %arg1[%get3A, %get3A_0] : memref<512x64xf32, #tpu.memory_space<vmem>>, vector<512x64xf32>
    %get3A_2 = arith.constant 0 : index
    %get3A_3 = arith.constant 0 : index
    %get3A_4 = vector.load %arg2[%get3A_2, %get3A_3] : memref<512x64xf32, #tpu.memory_space<vmem>>, vector<512x64xf32>
    %get3A_5 = arith.constant 0 : index
    %get3A_6 = arith.constant 0 : index
    %get3A_7 = vector.load %arg3[%get3A_5, %get3A_6] : memref<512x64xf32, #tpu.memory_space<vmem>>, vector<512x64xf32>
    %add3A = arith.constant 9.99999997E-7 : f32
    %add3A_8 = vector.broadcast %add3A : f32 to vector<512x64xf32>
    %add3A_9 = arith.addf %get3A_7, %add3A_8 : vector<512x64xf32>
    %div3A = arith.divf %get3A_4, %add3A_9 : vector<512x64xf32>
    %add3A_10 = arith.addf %get3A_1, %div3A : vector<512x64xf32>
    %reduce_sum3A = arith.constant dense<0.000000e+00> : vector<64xf32>
    %reduce_sum3A_11 = vector.multi_reduction <add>, %add3A_10, %reduce_sum3A [0] : vector<512x64xf32> to vector<64xf32>
    %broadcast_in_dim3A = vector.shape_cast %reduce_sum3A_11 : vector<64xf32> to vector<1x64xf32>
    %div3A_12 = arith.constant 5.120000e+02 : f32
    %div3A_13 = vector.broadcast %div3A_12 : f32 to vector<1x64xf32>
    %div3A_14 = arith.divf %broadcast_in_dim3A, %div3A_13 : vector<1x64xf32>
    %sub3A = vector.broadcast %div3A_14 : vector<1x64xf32> to vector<512x64xf32>
    %sub3A_15 = arith.subf %add3A_10, %sub3A : vector<512x64xf32>
    %integer_pow3A = arith.mulf %sub3A_15, %sub3A_15 : vector<512x64xf32>
    %reduce_sum3A_16 = arith.constant dense<0.000000e+00> : vector<64xf32>
    %reduce_sum3A_17 = vector.multi_reduction <add>, %integer_pow3A, %reduce_sum3A_16 [0] : vector<512x64xf32> to vector<64xf32>
    %broadcast_in_dim3A_18 = vector.shape_cast %reduce_sum3A_17 : vector<64xf32> to vector<1x64xf32>
    %div3A_19 = arith.constant 5.120000e+02 : f32
    %div3A_20 = vector.broadcast %div3A_19 : f32 to vector<1x64xf32>
    %div3A_21 = arith.divf %broadcast_in_dim3A_18, %div3A_20 : vector<1x64xf32>
    %get3A_22 = arith.constant 0 : index
    %get3A_23 = arith.constant 0 : index
    %get3A_24 = vector.load %arg5[%get3A_22, %get3A_23] : memref<512x64xf32, #tpu.memory_space<vmem>>, vector<512x64xf32>
    %sub3A_25 = vector.broadcast %div3A_14 : vector<1x64xf32> to vector<512x64xf32>
    %sub3A_26 = arith.subf %add3A_10, %sub3A_25 : vector<512x64xf32>
    %add3A_27 = arith.constant 9.99999974E-6 : f32
    %add3A_28 = vector.broadcast %add3A_27 : f32 to vector<1x64xf32>
    %add3A_29 = arith.addf %div3A_21, %add3A_28 : vector<1x64xf32>
    %sqrt3A = math.sqrt %add3A_29 : vector<1x64xf32>
    %div3A_30 = vector.broadcast %sqrt3A : vector<1x64xf32> to vector<512x64xf32>
    %div3A_31 = arith.divf %sub3A_26, %div3A_30 : vector<512x64xf32>
    %max3A = arith.constant 0.000000e+00 : f32
    %max3A_32 = vector.broadcast %max3A : f32 to vector<512x64xf32>
    %max3A_33 = arith.maximumf %div3A_31, %max3A_32 : vector<512x64xf32>
    %add3A_34 = arith.addf %get3A_24, %max3A_33 : vector<512x64xf32>
    %swap3A = arith.constant 0 : index
    %swap3A_35 = arith.constant 0 : index
    %swap3A_36 = vector.load %arg6[%swap3A, %swap3A_35] : memref<512x64xf32, #tpu.memory_space<vmem>>, vector<512x64xf32>
    tpu.vector_store %arg6[%swap3A, %swap3A_35], %add3A_34 {strides = array<i32>} : memref<512x64xf32, #tpu.memory_space<vmem>>, vector<512x64xf32>,
    %mul3A = arith.constant 5.120000e+02 : f32
    %mul3A_37 = arith.constant 5.120000e+02 : f32
    %mul3A_38 = arith.mulf %mul3A, %mul3A_37 : f32
    %get3A_39 = arith.constant 0 : index
    %get3A_40 = arith.constant 0 : index
    %get3A_41 = vector.load %arg4[%get3A_39, %get3A_40] : memref<8x64xf32, #tpu.memory_space<vmem>>, vector<1x64xf32>
    %div3A_42 = vector.broadcast %mul3A_38 : f32 to vector<1x64xf32>
    %div3A_43 = arith.divf %get3A_41, %div3A_42 : vector<1x64xf32>
    %get3A_44 = arith.constant 1 : index
    %get3A_45 = arith.constant 0 : index
    %get3A_46 = vector.load %arg4[%get3A_44, %get3A_45] : memref<8x64xf32, #tpu.memory_space<vmem>>, vector<1x64xf32>
    %div3A_47 = vector.broadcast %mul3A_38 : f32 to vector<1x64xf32>
    %div3A_48 = arith.divf %get3A_46, %div3A_47 : vector<1x64xf32>
    %mul3A_49 = arith.mulf %div3A_43, %div3A_43 : vector<1x64xf32>
    %sub3A_50 = arith.subf %div3A_48, %mul3A_49 : vector<1x64xf32>
    %add3A_51 = arith.constant 9.99999974E-6 : f32
    %add3A_52 = vector.broadcast %add3A_51 : f32 to vector<1x64xf32>
    %add3A_53 = arith.addf %sub3A_50, %add3A_52 : vector<1x64xf32>
    %rsqrt3A = math.rsqrt %add3A_53 : vector<1x64xf32>
    %broadcast_in_dim3A_54 = arith.constant 0.000000e+00 : f32
    %broadcast_in_dim3A_55 = vector.broadcast %broadcast_in_dim3A_54 : f32 to vector<6x64xf32>
    %concatenate3A = tpu.concatenate %div3A_43, %rsqrt3A, %broadcast_in_dim3A_55 in 0 : vector<1x64xf32>, vector<1x64xf32>, vector<6x64xf32> -> vector<8x64xf32>
    %swap3A_56 = arith.constant 0 : index
    %swap3A_57 = arith.constant 0 : index
    %swap3A_58 = vector.load %arg7[%swap3A_56, %swap3A_57] : memref<8x64xf32, #tpu.memory_space<vmem>>, vector<8x64xf32>
    tpu.vector_store %arg7[%swap3A_56, %swap3A_57], %concatenate3A {strides = array<i32>} : memref<8x64xf32, #tpu.memory_space<vmem>>, vector<8x64xf32>,
    return
  }
  func.func @transform_0(%arg0: i32) -> (i32, i32) {
    %c0_i32 = arith.constant 0 : i32
    %c0_i32_0 = arith.constant 0 : i32
    %c0_i32_1 = arith.constant 0 : i32
    return %c0_i32, %c0_i32_0 : i32, i32
  }
  func.func @transform_1(%arg0: i32) -> (i32, i32) {
    %c0_i32 = arith.constant 0 : i32
    %c0_i32_0 = arith.constant 0 : i32
    %c0_i32_1 = arith.constant 0 : i32
    return %c0_i32, %c0_i32_0 : i32, i32
  }
  func.func @transform_2(%arg0: i32) -> (i32, i32) {
    %c0_i32 = arith.constant 0 : i32
    %c0_i32_0 = arith.constant 0 : i32
    %c0_i32_1 = arith.constant 0 : i32
    return %c0_i32, %c0_i32_0 : i32, i32
  }
  func.func @transform_3(%arg0: i32) -> (i32, i32) {
    %c0_i32 = arith.constant 0 : i32
    %c0_i32_0 = arith.constant 0 : i32
    %c0_i32_1 = arith.constant 0 : i32
    return %c0_i32, %c0_i32_0 : i32, i32
  }
  func.func @transform_4(%arg0: i32) -> (i32, i32) {
    %c0_i32 = arith.constant 0 : i32
    %c0_i32_0 = arith.constant 0 : i32
    %c0_i32_1 = arith.constant 0 : i32
    return %c0_i32, %c0_i32_0 : i32, i32
  }
  func.func @transform_5(%arg0: i32) -> (i32, i32) {
    %c0_i32 = arith.constant 0 : i32
    %c0_i32_0 = arith.constant 0 : i32
    %c0_i32_1 = arith.constant 0 : i32
    return %c0_i32, %c0_i32_0 : i32, i32
  }
  func.func @transform_6(%arg0: i32) -> (i32, i32) {
    %c0_i32 = arith.constant 0 : i32
    %c0_i32_0 = arith.constant 0 : i32
    %c0_i32_1 = arith.constant 0 : i32
    return %c0_i32, %c0_i32_0 : i32, i32
  }
}

module attributes {stable_mosaic.version = 14 : i64} {
  func.func @_pass3(%arg0: i32, %arg1: memref<512x32xf32, #tpu.memory_space<vmem>>, %arg2: memref<16x512xi32, #tpu.memory_space<vmem>>, %arg3: memref<2x32xf32, #tpu.memory_space<vmem>>, %arg4: memref<32x64xf32, #tpu.memory_space<vmem>>, %arg5: memref<32x64xf32, #tpu.memory_space<vmem>>, %arg6: memref<32x64xf32, #tpu.memory_space<vmem>>, %arg7: memref<8x64xf32, #tpu.memory_space<vmem>>, %arg8: memref<16x512x64xf32, #tpu.memory_space<vmem>>, %arg9: memref<8x64xf32, #tpu.memory_space<vmem>>, %arg10: memref<16x512x64xf32, #tpu.memory_space<vmem>>) attributes {dimension_semantics = [#tpu.dimension_semantics<arbitrary>], iteration_bounds = array<i64: 32>, scalar_prefetch = 0 : i64, scratch_operands = 0 : i64, tpu.core_type = #tpu.core_type<tc>, window_params = [{pipeline_mode = #tpu.pipeline_mode<synchronous>, transform_indices = @transform_0, window_bounds = array<i64: 512, 32>}, {transform_indices = @transform_1, window_bounds = array<i64: 16, 512>}, {pipeline_mode = #tpu.pipeline_mode<synchronous>, transform_indices = @transform_2, window_bounds = array<i64: 2, 32>}, {pipeline_mode = #tpu.pipeline_mode<synchronous>, transform_indices = @transform_3, window_bounds = array<i64: 32, 64>}, {pipeline_mode = #tpu.pipeline_mode<synchronous>, transform_indices = @transform_4, window_bounds = array<i64: 32, 64>}, {pipeline_mode = #tpu.pipeline_mode<synchronous>, transform_indices = @transform_5, window_bounds = array<i64: 32, 64>}, {pipeline_mode = #tpu.pipeline_mode<synchronous>, transform_indices = @transform_6, window_bounds = array<i64: 8, 64>}, {transform_indices = @transform_7, window_bounds = array<i64: 16, 512, 64>}, {pipeline_mode = #tpu.pipeline_mode<synchronous>, transform_indices = @transform_8, window_bounds = array<i64: 8, 64>}, {transform_indices = @transform_9, window_bounds = array<i64: 16, 512, 64>}]} {
    %get3A = arith.constant 0 : index
    %get3A_0 = arith.constant 0 : index
    %get3A_1 = vector.load %arg1[%get3A, %get3A_0] : memref<512x32xf32, #tpu.memory_space<vmem>>, vector<512x32xf32>
    %mul3A = arith.constant 16 : i32
    %mul3A_2 = arith.muli %arg0, %mul3A : i32
    %get3A_3 = arith.index_cast %mul3A_2 : i32 to index
    %get3A_4 = arith.constant 0 : index
    %get3A_5 = vector.load %arg1[%get3A_3, %get3A_4] : memref<512x32xf32, #tpu.memory_space<vmem>>, vector<16x32xf32>
    %get3A_6 = arith.constant 0 : index
    %get3A_7 = arith.constant 0 : index
    %get3A_8 = vector.load %arg4[%get3A_6, %get3A_7] : memref<32x64xf32, #tpu.memory_space<vmem>>, vector<32x64xf32>
    %dot_general3A = arith.constant dense<0.000000e+00> : vector<16x64xf32>
    %dot_general3A_9 = tpu.matmul %get3A_5, %get3A_8, %dot_general3A {dimension_numbers = #tpu.dot_dimension_numbers<[1], [0], [0], [1], [0, 0, 1, 1], [], []>, precision = #tpu.contract_precision<fp32>, transpose_lhs_hint = false} : vector<16x32xf32>, vector<32x64xf32>, vector<16x64xf32> -> vector<16x64xf32>
    %get3A_10 = arith.constant 0 : index
    %get3A_11 = arith.constant 0 : index
    %get3A_12 = vector.load %arg5[%get3A_10, %get3A_11] : memref<32x64xf32, #tpu.memory_space<vmem>>, vector<32x64xf32>
    %dot_general3A_13 = arith.constant dense<0.000000e+00> : vector<512x64xf32>
    %dot_general3A_14 = tpu.matmul %get3A_1, %get3A_12, %dot_general3A_13 {dimension_numbers = #tpu.dot_dimension_numbers<[1], [0], [0], [1], [0, 0, 1, 1], [], []>, precision = #tpu.contract_precision<fp32>, transpose_lhs_hint = false} : vector<512x32xf32>, vector<32x64xf32>, vector<512x64xf32> -> vector<512x64xf32>
    %get3A_15 = arith.constant 0 : index
    %get3A_16 = arith.constant 0 : index
    %get3A_17 = vector.load %arg3[%get3A_15, %get3A_16] : memref<2x32xf32, #tpu.memory_space<vmem>>, vector<2x32xf32>
    %get3A_18 = arith.constant 0 : index
    %get3A_19 = arith.constant 0 : index
    %get3A_20 = vector.load %arg6[%get3A_18, %get3A_19] : memref<32x64xf32, #tpu.memory_space<vmem>>, vector<32x64xf32>
    %dot_general3A_21 = arith.constant dense<0.000000e+00> : vector<2x64xf32>
    %dot_general3A_22 = tpu.matmul %get3A_17, %get3A_20, %dot_general3A_21 {dimension_numbers = #tpu.dot_dimension_numbers<[1], [0], [0], [1], [0, 0, 1, 1], [], []>, precision = #tpu.contract_precision<fp32>, transpose_lhs_hint = false} : vector<2x32xf32>, vector<32x64xf32>, vector<2x64xf32> -> vector<2x64xf32>
    %slice3A = vector.extract_strided_slice %dot_general3A_22 {offsets = [0, 0], sizes = [1, 64], strides = [1, 1]} : vector<2x64xf32> to vector<1x64xf32>
    %slice3A_23 = vector.extract_strided_slice %dot_general3A_22 {offsets = [1, 0], sizes = [1, 64], strides = [1, 1]} : vector<2x64xf32> to vector<1x64xf32>
    %sub3A = arith.subf %slice3A_23, %slice3A : vector<1x64xf32>
    %add3A = vector.broadcast %slice3A : vector<1x64xf32> to vector<512x64xf32>
    %add3A_24 = arith.addf %dot_general3A_14, %add3A : vector<512x64xf32>
    %get3A_25 = arith.constant 0 : index
    %get3A_26 = arith.constant 0 : index
    %get3A_27 = vector.load %arg2[%get3A_25, %get3A_26] : memref<16x512xi32, #tpu.memory_space<vmem>>, vector<16x512xi32>
    %convert_element_type3A = arith.sitofp %get3A_27 : vector<16x512xi32> to vector<16x512xf32>
    %broadcast_in_dim3A = vector.shape_cast %dot_general3A_9 : vector<16x64xf32> to vector<16x1x64xf32>
    %broadcast_in_dim3A_28 = vector.shape_cast %add3A_24 : vector<512x64xf32> to vector<1x512x64xf32>
    %add3A_29 = vector.broadcast %broadcast_in_dim3A : vector<16x1x64xf32> to vector<16x512x64xf32>
    %add3A_30 = vector.broadcast %broadcast_in_dim3A_28 : vector<1x512x64xf32> to vector<16x512x64xf32>
    %add3A_31 = arith.addf %add3A_29, %add3A_30 : vector<16x512x64xf32>
    %broadcast_in_dim3A_32 = vector.shape_cast %convert_element_type3A : vector<16x512xf32> to vector<16x512x1xf32>
    %broadcast_in_dim3A_33 = vector.shape_cast %sub3A : vector<1x64xf32> to vector<1x1x64xf32>
    %mul3A_34 = vector.broadcast %broadcast_in_dim3A_32 : vector<16x512x1xf32> to vector<16x512x64xf32>
    %mul3A_35 = vector.broadcast %broadcast_in_dim3A_33 : vector<1x1x64xf32> to vector<16x512x64xf32>
    %mul3A_36 = arith.mulf %mul3A_34, %mul3A_35 : vector<16x512x64xf32>
    %add3A_37 = arith.addf %add3A_31, %mul3A_36 : vector<16x512x64xf32>
    %get3A_38 = arith.constant 0 : index
    %get3A_39 = arith.constant 0 : index
    %get3A_40 = vector.load %arg7[%get3A_38, %get3A_39] : memref<8x64xf32, #tpu.memory_space<vmem>>, vector<1x64xf32>
    %broadcast_in_dim3A_41 = vector.shape_cast %get3A_40 : vector<1x64xf32> to vector<1x1x64xf32>
    %get3A_42 = arith.constant 1 : index
    %get3A_43 = arith.constant 0 : index
    %get3A_44 = vector.load %arg7[%get3A_42, %get3A_43] : memref<8x64xf32, #tpu.memory_space<vmem>>, vector<1x64xf32>
    %broadcast_in_dim3A_45 = vector.shape_cast %get3A_44 : vector<1x64xf32> to vector<1x1x64xf32>
    %sub3A_46 = vector.broadcast %broadcast_in_dim3A_41 : vector<1x1x64xf32> to vector<16x512x64xf32>
    %sub3A_47 = arith.subf %add3A_37, %sub3A_46 : vector<16x512x64xf32>
    %mul3A_48 = vector.broadcast %broadcast_in_dim3A_45 : vector<1x1x64xf32> to vector<16x512x64xf32>
    %mul3A_49 = arith.mulf %sub3A_47, %mul3A_48 : vector<16x512x64xf32>
    %max3A = arith.constant 0.000000e+00 : f32
    %max3A_50 = vector.broadcast %max3A : f32 to vector<16x512x64xf32>
    %max3A_51 = arith.maximumf %mul3A_49, %max3A_50 : vector<16x512x64xf32>
    %get3A_52 = arith.constant 0 : index
    %get3A_53 = arith.constant 0 : index
    %get3A_54 = arith.constant 0 : index
    %get3A_55 = vector.load %arg8[%get3A_52, %get3A_53, %get3A_54] : memref<16x512x64xf32, #tpu.memory_space<vmem>>, vector<16x512x64xf32>
    %get3A_56 = arith.constant 0 : index
    %get3A_57 = arith.constant 0 : index
    %get3A_58 = vector.load %arg9[%get3A_56, %get3A_57] : memref<8x64xf32, #tpu.memory_space<vmem>>, vector<1x64xf32>
    %broadcast_in_dim3A_59 = vector.shape_cast %get3A_58 : vector<1x64xf32> to vector<1x1x64xf32>
    %get3A_60 = arith.constant 1 : index
    %get3A_61 = arith.constant 0 : index
    %get3A_62 = vector.load %arg9[%get3A_60, %get3A_61] : memref<8x64xf32, #tpu.memory_space<vmem>>, vector<1x64xf32>
    %broadcast_in_dim3A_63 = vector.shape_cast %get3A_62 : vector<1x64xf32> to vector<1x1x64xf32>
    %sub3A_64 = vector.broadcast %broadcast_in_dim3A_59 : vector<1x1x64xf32> to vector<16x512x64xf32>
    %sub3A_65 = arith.subf %get3A_55, %sub3A_64 : vector<16x512x64xf32>
    %mul3A_66 = vector.broadcast %broadcast_in_dim3A_63 : vector<1x1x64xf32> to vector<16x512x64xf32>
    %mul3A_67 = arith.mulf %sub3A_65, %mul3A_66 : vector<16x512x64xf32>
    %max3A_68 = arith.constant 0.000000e+00 : f32
    %max3A_69 = vector.broadcast %max3A_68 : f32 to vector<16x512x64xf32>
    %max3A_70 = arith.maximumf %mul3A_67, %max3A_69 : vector<16x512x64xf32>
    %add3A_71 = arith.addf %max3A_51, %max3A_70 : vector<16x512x64xf32>
    %swap3A = arith.constant 0 : index
    %swap3A_72 = arith.constant 0 : index
    %swap3A_73 = arith.constant 0 : index
    %swap3A_74 = vector.load %arg10[%swap3A, %swap3A_72, %swap3A_73] : memref<16x512x64xf32, #tpu.memory_space<vmem>>, vector<16x512x64xf32>
    tpu.vector_store %arg10[%swap3A, %swap3A_72, %swap3A_73], %add3A_71 {strides = array<i32>} : memref<16x512x64xf32, #tpu.memory_space<vmem>>, vector<16x512x64xf32>,
    return
  }
  func.func @transform_0(%arg0: i32) -> (i32, i32) {
    %c0_i32 = arith.constant 0 : i32
    %c0_i32_0 = arith.constant 0 : i32
    %c0_i32_1 = arith.constant 0 : i32
    return %c0_i32, %c0_i32_0 : i32, i32
  }
  func.func @transform_1(%arg0: i32) -> (i32, i32) {
    %c0_i32 = arith.constant 0 : i32
    %c0_i32_0 = arith.constant 0 : i32
    return %arg0, %c0_i32 : i32, i32
  }
  func.func @transform_2(%arg0: i32) -> (i32, i32) {
    %c0_i32 = arith.constant 0 : i32
    %c0_i32_0 = arith.constant 0 : i32
    %c0_i32_1 = arith.constant 0 : i32
    return %c0_i32, %c0_i32_0 : i32, i32
  }
  func.func @transform_3(%arg0: i32) -> (i32, i32) {
    %c0_i32 = arith.constant 0 : i32
    %c0_i32_0 = arith.constant 0 : i32
    %c0_i32_1 = arith.constant 0 : i32
    return %c0_i32, %c0_i32_0 : i32, i32
  }
  func.func @transform_4(%arg0: i32) -> (i32, i32) {
    %c0_i32 = arith.constant 0 : i32
    %c0_i32_0 = arith.constant 0 : i32
    %c0_i32_1 = arith.constant 0 : i32
    return %c0_i32, %c0_i32_0 : i32, i32
  }
  func.func @transform_5(%arg0: i32) -> (i32, i32) {
    %c0_i32 = arith.constant 0 : i32
    %c0_i32_0 = arith.constant 0 : i32
    %c0_i32_1 = arith.constant 0 : i32
    return %c0_i32, %c0_i32_0 : i32, i32
  }
  func.func @transform_6(%arg0: i32) -> (i32, i32) {
    %c0_i32 = arith.constant 0 : i32
    %c0_i32_0 = arith.constant 0 : i32
    %c0_i32_1 = arith.constant 0 : i32
    return %c0_i32, %c0_i32_0 : i32, i32
  }
  func.func @transform_7(%arg0: i32) -> (i32, i32, i32) {
    %c0_i32 = arith.constant 0 : i32
    %c0_i32_0 = arith.constant 0 : i32
    %c0_i32_1 = arith.constant 0 : i32
    return %arg0, %c0_i32, %c0_i32_0 : i32, i32, i32
  }
  func.func @transform_8(%arg0: i32) -> (i32, i32) {
    %c0_i32 = arith.constant 0 : i32
    %c0_i32_0 = arith.constant 0 : i32
    %c0_i32_1 = arith.constant 0 : i32
    return %c0_i32, %c0_i32_0 : i32, i32
  }
  func.func @transform_9(%arg0: i32) -> (i32, i32, i32) {
    %c0_i32 = arith.constant 0 : i32
    %c0_i32_0 = arith.constant 0 : i32
    %c0_i32_1 = arith.constant 0 : i32
    return %arg0, %c0_i32, %c0_i32_0 : i32, i32, i32
  }
}

</mosaic_0001>

<sc_bundles>
// kernel: sparse-core-data-format-call.cloned.1.call-start
scs
called_computation_lowered:
.L_overlay_start_0:
0x0: {  	s2 =	sld [smem:$0x3FD9]  }
0x1: {  	s3 =	sld [smem:$0x3FFE];
	_ =	sdelay $0x1  }
0x2: {  	s1 =	srdreg.scid  }
0x3: {  	s0 =	sand.u32 $0x1, s1  }
0x4: {  	s15 =	sshll.u32 s0, $0xA;
	s2 =	sadd.s32 s3, s2  }
0x5: {  	s2 =	sadd.s32 s2, s15  }
0x6: {  	[smem:$0x3FBA] =	sst s2  }
0x7: {  	_ = 	snop  }
0x8: {  	s2 =	sld [smem:$0x3FD0];
	_ =	sdelay $0x2  }
0x9: {  	s16 =	simm.s32 $0xA;
	s4 =	simm.s32 $0x10  }
0xa: {  	[smem:s4], [sflag:s16] =	dma.local [hbm:s2], $0x1  }
0xb: {  	_ =	swait.eq [sflag:s16], $0x1  }
0xc: {  	[sflag:s16] =	ssyncset.done $0x0  }
0xd: {  	[sflag:s16] =	ssyncadd.s32 $0xFFFFFFFF  }
0xe: {  	s17 =	sld [smem:$0x11];
	(tm) =	ssettm $0x1  }
0xf: {  	s18 =	sld [smem:$0x3FFB];
	_ =	sdelay $0x3  }
0x10: {  	_ =	strace s18  }
0x11: {  	s3 =	sld [smem:$0x3FFC];
	_ =	sdelay $0x3  }
0x12: {  	_ =	strace s3  }
0x13: {  	s3 =	sld [smem:$0x3FFD];
	_ =	sdelay $0x3  }
0x14: {  	_ =	strace s3  }
0x15: {  	_ =	strace $0x8FFFFFFF  }
0x16: {  	s19 =	sld [smem:$0x3FDB];
	_ =	sdelay $0x1  }
0x17: {  	s20 =	simm.s32 $_scs_section_size  }
0x18: {  	s5 =	simm.s32 $_size__tile_overlayer_lowered;
	s6 =	simm.s32 $_tile_overlayer_lowered  }
0x19: {  	s23 =	simm.s32 $0x1BFF;
	s22 =	sshll.u32 s6, $0x1;
	s3 =	sadd.s32 s20, s19  }
0x1a: {  	s7 =	simm.s32 $0x0;
	s21 =	sshll.u32 s5, $0x1;
	s5 =	sadd.s32 s22, s3  }
0x1b: {  	[timem:s7], [sflag:s23] =	dma.local [hbm:s5], s21  }
0x1c: {  	_ =	swait.ge [sflag:s23], s21  }
0x1d: {  	s4 =	ssub.s32 $0x0, s21;
	[sflag:s23] =	ssyncset.done $0x0  }
0x1e: {  	[sflag:s23] =	ssyncadd.s32 s4;
	_ =	sdelay $0x1  }
0x1f: {  	s24 =	simm.s32 $0x1B8B  }
0x20: {  	_ =	swait.ge [sflag:s24], $0x1  }
0x21: {  	[sflag:s24] =	ssyncset.done $0x0  }
0x22: {  	s26 =	simm.s32 $0x1B8E;
	s25 =	sld [smem:$0x3FFE];
	[sflag:s24] =	ssyncadd.s32 $0xFFFFFFFF  }
0x23: {  	s27 =	simm.s32 $execute0_lowered;
	[smem:$0x3FD2] =	sst s26  }
0x24: {  	s5 =	sshll.u32 s27, $0x1;
	_ =	strace $0x80000046;
	[dreg:$0x1] =	wrdreg $0xFFFFFFFF  }
0x25: {  	s28 =	simm.s32 $_size_execute0_lowered;
	s3 =	sadd.s32 s3, s5;
	[dreg:$0x0] =	wrdreg $0x0  }
0x26: {  	s5 =	sshll.u32 s28, $0x1;
	[dreg:$0x2] =	wrdreg s3  }
0x27: {  	[dreg:$0x3] =	wrdreg s5  }
0x28: {  	[dreg:$0x4] =	wrdreg $0xC0  }
0x29: {  	_ =	task [dreg:s7], $0x5FFFF  }
0x2a: {  	[dreg:$0x1] =	wrdreg $0xFFFFFFFF  }
0x2b: {  	[dreg:$0x0] =	wrdreg $0x60  }
0x2c: {  	[dreg:$0x2] =	wrdreg s25  }
0x2d: {  	[dreg:$0x3] =	wrdreg s17  }
0x2e: {  	[dreg:$0x4] =	wrdreg $0x9  }
0x2f: {  	_ =	task.clear_ibuf [dreg:s7], $0x5FFFF;
	_ =	strace $0x90000046  }
0x30: {  	s29 =	simm.s32 $0x9;
	_ =	strace $0x80000048  }
0x31: {  	_ =	swait.ge [sflag:s29], $0x1  }
0x32: {  	[sflag:s29] =	ssyncadd.s32 $0xFFFFFFFF  }
0x33: {  	_ =	strace $0x90000048  }
0x34: {  	_ =	sfence  }
0x35: {  	s30 =	sld [smem:$0x0];
	_ =	sdelay $0x2  }
0x36: {  	s31 =	sshll.u32 s1, $0xD;
	s1 =	sshrl.u32 s1, $0x2  }
0x37: {  	s3 =	sand.u32 $0x4000, s31;
	s1 =	sadd.s32 s1, s30  }
0x38: {  	s0 =	sor.u32 s3, s0;
	s1 =	sshll.u32 s1, $0x11  }
0x39: {  	s0 =	sor.u32 s1, s0  }
0x3a: {  	s0 =	sadd.s32 $0x8F2B, s0  }
0x3b: {  	[sflag:s0] =	ssyncadd.remote.s32 $0x1  }
0x3c: {  	_ =	sfence.sel $0xFFFF  }
0x3d: {  	[dreg:$0x0] =	wrdreg $0xFFFFFFFF;
	(pc) =	sbr.abs _section_cstart, $3  }
0x3e: {  	[dreg:$0x1] =	wrdreg $0xFFFFFFFF  }
0x3f: {  	_ =	task.clear_ibuf [dreg:s7], $0x2FFFF;
	_ =	strace $0x9FFFFFFF  }
0x40: {  	(tm) =	ssettm $0x7FFFFFFF  }
0x41: {  	_ =	shalt  }
tec
execute0_lowered:
.L_overlay_start_1:
0x0: {  	(tag) =	ssettag $0x1  }
0x1: {  	s0 =	srdreg.scid  }
0x2: {  	s7 =	rddreg [dreg:$0x0];
	s1 =	sshll.u32 s0, $0x4  }
0x3: {  	s3 =	rddreg [dreg:$0x1];
	s0 =	stileid.u32;
	s1 =	sand.u32 $0x10, s1  }
0x4: {  	s6 =	simm.s32 $0x1;
	s31 =	simm.s32 $0x2;
	s1 =	sor.u32 s0, s1  }
0x5: {  	s13 =	simm.s32 $0x0;
	s9 =	simm.s32 $0x1000;
	s2 =	sshll.u32 s1, $0x1  }
0x6: {  	s14 =	simm.s32 $0x0;
	s10 =	simm.s32 $0x0;
	s4 =	ssub.s32 $0x200, s2  }
0x7: {  	s12 =	simm.s32 $0x0;
	s1 =	rddreg [dreg:$0x2];
	s5 =	sand.u32 $0x3E, s4  }
.Ltmp0:
0x8: {  	_ =	strace $0x80000047;
	p0 =	sne.s32 s5, $0x0;
	(pc) =	sbr.rel .LBB1_1-.Ltmp0, $4  }
0x9: {  	s11 =	smov.u32 s2;
	s8 =	sshrl.u32 s4, $0x6;
	s6 =	simm.s32 @!p0 $0x0  }
0xa: {  	s4 =	sadd.s32 $0x405000, s7;
	s5 =	simm.s32 $0x1;
	s6 =	sadd.s32 s6, s8  }
0xb: {  	s7 =	sadd.s32 $0x407000, s7;
	[sflag:s5] =	ssyncpa.u1 $0x0;
	s6 =	sshll.u32 s6, $0x2  }
0xc: {  	p0 =	por $0x0, $0x0;
	[sflag:s31] =	ssyncpa.u1 $0x0;
	s8 =	sor.u32 $0x1, s6  }
.LBB1_7:
0xd: {  	s15 =	sadd.s32 $0x80, s10  }
0xe: {  	s13 =	sadd.s32 $0x40, s11;
	s17 =	smov.u32 s11;
	p2 =	sgt.s32 s15, $0x1FF  }
0xf: {  	s17 =	smov.u32 @p2 s13  }
0x10: {  	s15 =	simm.s32 @p2 $0x0;
	p2 =	sgt.s32 s17, $0x1FF  }
0x11: {  	s17 =	smov.u32 @p2 s2;
	p2 =	sne.s32 s12, s8  }
.Ltmp1:
0x12: {  	p1 =	slt.u32 s12, $0x2;
	(pc) =	sbr.rel @!p2 .LBB1_8-.Ltmp1, $4  }
0x13: {  	s16 =	simm.s32 @!p1 $0x2  }
0x14: {  	s14 =	smov.u32 s11;
	p0 =	por !p0, !p0;
	_ =	swait.ge @!p1 [sflag:s16], $0x4000  }
0x15: {  	s13 =	smov.u32 s10;
	[sflag:s16] =	ssyncset.done @!p1 $0x0;
	s10 =	smov.u32 s15  }
0x16: {  	s12 =	sadd.s32 $0x1, s12;
	[sflag:s16] =	ssyncadd.s32 @!p1 $0xFFFFC000;
	s11 =	smov.u32 s17  }
.LBB1_1:
0x17: {  	p1 =	sge.u32 s12, s6  }
0x18: {  	s15 =	sxor.u32 @!p1 $0xFFFFFFFF, s12;
	s16 =	sshll.u32 @!p1 s11, $0xD  }
0x19: {  	s17 =	sshll.u32 @!p1 s10, $0x4;
	s19 =	simm.s32 @!p1 $0x40;
	s20 =	simm.s32 @!p1 $0x80  }
0x1a: {  	s15 =	sshll.u32 @!p1 s15, $0xE;
	s17 =	sand.u32 @!p1 $0x1FF0, s17;
	s18 =	sadd.s32 @!p1 s4, s16  }
0x1b: {  	s16 =	sadd.s32 @!p1 s16, s7;
	s15 =	sand.u32 @!p1 $0x4000, s15;
	s18 =	sadd.s32 @!p1 s17, s18  }
0x1c: {  	[tilespmem:s15], [sflag:$0x1] =	stream.strided.gather @!p1 [hbm4b:s18+s19], $0x2000, s20, s19, $0x38;
	[tilespmem:$0x10100] =	vst v63  }
0x1d: {  	s31 =	sadd.s32 $0xFFFFFFFF, s12;
	s16 =	sadd.s32 @!p1 s17, s16;
	s15 =	sor.u32 @!p1 $0x2000, s15  }
0x1e: {  	[tilespmem:s15], [sflag:$0x1] =	stream.strided.gather @!p1 [hbm4b:s16+s19], $0x2000, s20, s19, $0x38;
	[tilespmem:$0x10100] =	vst v63  }
0x1f: {  	p1 =	sge.u32 s31, s6  }
.Ltmp2:
0x20: {  	_ = 	snop;
	(pc) =	sbr.rel @p1 .LBB1_7-.Ltmp2, $1  }
0x21: {  	_ =	sdelay $0x3  }
0x22: {  	s15 =	simm.s32 $0x1;
	s17 =	sand.u32 $0x1, s12  }
0x23: {  	_ =	swait.ge [sflag:s5], $0x4000;
	s15 =	simm.s32 @!p0 $0x0;
	s17 =	smul.u32 $0x10200, s17  }
0x24: {  	p2 =	por $0x1, $0x1;
	[sflag:s5] =	ssyncset.done $0x0;
	s16 =	smul.u32 $0x10200, s15  }
0x25: {  	s18 =	sshll.u32 s15, $0x10;
	[sflag:s5] =	ssyncadd.s32 $0xFFFFC000;
	s30 =	sshrl.u32 s17, $0x2  }
0x26: {  	s31 =	sshrl.u32 s18, $0x2;
	s18 =	simm.s32 $0x0;
	s16 =	sshrl.u32 s16, $0x2  }
0x27: {  	s15 =	sor.u32 $0x8000, s30;
	s17 =	sadd.s32 $0x20, s31;
	s16 =	sor.u32 $0x8000, s16  }
.LBB1_3:
0x28: {  	s19 =	sshll.u32 s18, $0xD  }
0x29: {  	s19 =	sand.u32 $0x3FFFE000, s19  }
0x2a: {  	s21 =	sadd.s32 s19, s17  }
0x2b: {  	s31 =	smul.u32 $0x8100, s18;
	v3 =	vld [tilespmem:s21+$0x10]  }
0x2c: {  	v1 =	vld [tilespmem:s21+$0xFFFFFFF0]  }
0x2d: {  	s18 =	sshra.s32 s31, $0x2;
	v0 =	vld [tilespmem:s21+$0x0]  }
0x2e: {  	s18 =	sadd.s32 s18, s16;
	v2 =	vld [tilespmem:s21+$0xFFFFFFE0]  }
0x2f: {  	s19 =	sadd.s32 $0x0, s18  }
0x30: {  	p1 =	por p2, p2;
	s20 =	simm.s32 $0x4;
	s21 =	sadd.s32 $0x40, s21;
	[tilespmem:s19+$0x1830 ss:$0x81] =	vst.msk $0xffff, v3  }
.LBB1_4:
0x31: {  	v3 =	vld [tilespmem:s21+$0x10];
	p2 =	sne.s32 s20, $0x1FC;
	[tilespmem:s19+$0x810 ss:$0x81] =	vst.msk $0xffff, v1;
	s22 =	smov.u32 s20;
	s20 =	sadd.s32 $0x4, s20  }
.Ltmp3:
0x32: {  	v1 =	vld [tilespmem:s21+$0xFFFFFFF0];
	[tilespmem:s19+$0x1020 ss:$0x81] =	vst.msk $0xffff, v0;
	(pc) =	sbr.rel @p2 .LBB1_4-.Ltmp3, $4  }
0x33: {  	v0 =	vld [tilespmem:s21+$0x0];
	[tilespmem:s19+$0x0 ss:$0x81] =	vst.msk $0xffff, v2  }
0x34: {  	s19 =	sshra.s32 s22, $0x2;
	v2 =	vld [tilespmem:s21+$0xFFFFFFE0]  }
0x35: {  	s19 =	sadd.s32 s19, s18  }
0x36: {  	s21 =	sadd.s32 $0x40, s21;
	[tilespmem:s19+$0x1830 ss:$0x81] =	vst.msk $0xffff, v3  }
.Ltmp4:
0x37: {  	(pc) =	sbr.rel @p1 .LBB1_3-.Ltmp4, $4  }
0x38: {  	_ = 	snop  }
0x39: {  	[tilespmem:s19+$0x810 ss:$0x81] =	vst.msk $0xffff, v1  }
0x3a: {  	[tilespmem:s19+$0x1020 ss:$0x81] =	vst.msk $0xffff, v0  }
0x3b: {  	s18 =	simm.s32 $0x1;
	p2 =	por $0x0, $0x0;
	[tilespmem:s19+$0x0 ss:$0x81] =	vst.msk $0xffff, v2  }
.Ltmp5:
0x3c: {  	s16 =	sand.u32 $0xF80, s13;
	s14 =	sshll.u32 s14, $0xC;
	(pc) =	sbr.rel .LBB1_7-.Ltmp5, $4  }
0x3d: {  	s17 =	sshrl.u32 s13, $0x3;
	s31 =	sand.u32 $0x7, s13;
	s14 =	sadd.s32 s3, s14  }
0x3e: {  	s17 =	sand.u32 $0xF, s17;
	s13 =	sshll.u32 s31, $0x12;
	s14 =	sadd.s32 s16, s14  }
0x3f: {  	s13 =	sor.u32 $0x400, s13;
	s14 =	sadd.s32 s17, s14  }
0x40: {  	[hbm4b:s14+s13] =	stream.strided.scatter [tilespmem:s15], [sflag:$0x2], $0x4000, s9, s13, $0x20;
	[tilespmem:$0x10100] =	vst v63  }
.LBB1_8:
0x41: {  	_ =	sfence.sel $0x180000  }
0x42: {  	s2 =	simm.s32 $0x1;
	[bflag:$0x0] =	sbarrier.arrive $0xFFFF  }
0x43: {  	s31 =	simm.s32 $0x2;
	[sflag:s2] =	ssyncpa.u1 $0x1  }
0x44: {  	[sflag:s31] =	ssyncpa.u1 $0x1  }
0x45: {  	p0 =	sne.s32 s0, $0x0;
	_ =	strace $0x90000047  }
0x46: {  	s0 =	sadd.s32 @!p0 $0x100000, s1;
	[bflag:$0x2] =	sbarrier.arrive $0xFFFF  }
0x47: {  	[sflag:s0] =	ssyncadd.tile.s32 @!p0 $0x1;
	_ =	shalt  }
.Lfunc_end1:
_tile_overlayer_lowered:
.L_overlay_start_2:
0x48: {  	(tag) =	ssettag $0x2  }
0x49: {  	s0 =	rddreg [dreg:$0x0];
	s2 =	stileid.u32  }
0x4a: {  	s1 =	rddreg [dreg:$0x1];
	p0 =	sne.s32 s2, $0x0  }
0x4b: {  	s3 =	rddreg [dreg:$0x2];
	[bflag:$0x3] =	sbarrier.arrive $0xFFFF;
	s2 =	simm.s32 @!p0 $0x1C01  }
0x4c: {  	[timem:s3], [sflag:s2] =	dma.local @!p0 [hbm:s0], s1  }
0x4d: {  	s0 =	simm.s32 @!p0 $0x1  }
0x4e: {  	_ =	swait.ge @!p0 [sflag:s0], s1  }
0x4f: {  	s1 =	ssub.s32 @!p0 $0x0, s1;
	[sflag:s0] =	ssyncset.done @!p0 $0x0  }
0x50: {  	[sflag:s0] =	ssyncadd.s32 @!p0 s1  }
0x51: {  	[bflag:$0x3] =	sbarrier.arrive $0xFFFF  }
0x52: {  	_ =	shalt  }

</sc_bundles>
